<compile_context>
chip_gen: v7x
topology: tpu7x:2x2x1
jax: 0.10.2.dev20260603
libtpu: 0.0.44.dev20260713+nightly
codegen_flags: <defaults>
</compile_context>

<pallas_src>
import functools

import jax
import jax.numpy as jnp
from jax import lax
from jax.experimental import pallas as pl
from jax.experimental.pallas import tpu as pltpu
from jax.experimental.pallas import tpu_sc as plsc

NUM_SPK = 100000
EMBD_DIM = 64
BATCH = 16384

NUM_CORES = 2
NUM_SUBCORES = 16
NW = NUM_CORES * NUM_SUBCORES
B_PER_W = BATCH // NW
IDX_CHUNK = 128
N_CHUNKS = B_PER_W // IDX_CHUNK

_mesh = plsc.VectorSubcoreMesh(core_axis_name="c", subcore_axis_name="s")


@functools.partial(
    pl.kernel,
    mesh=_mesh,
    compiler_params=pltpu.CompilerParams(
        use_tc_tiling_on_sc=True, needs_layout_passes=False
    ),
    out_type=jax.ShapeDtypeStruct((EMBD_DIM, BATCH), jnp.float32),
    scratch_types=[
        pltpu.VMEM((B_PER_W + 16,), jnp.int32),
        pltpu.VMEM((B_PER_W, EMBD_DIM), jnp.float32),
        pltpu.VMEM((EMBD_DIM, B_PER_W), jnp.float32),
        pltpu.SemaphoreType.DMA,
        pltpu.SemaphoreType.DMA,
    ],
)
def _sc_gather(table_hbm, idx_hbm, out_hbm, idx_v, rows_v, tb_v, sem, sem2):
    wid = lax.axis_index("s") * NUM_CORES + lax.axis_index("c")
    base = wid * B_PER_W
    pltpu.sync_copy(idx_hbm.at[pl.ds(base, B_PER_W)], idx_v.at[pl.ds(0, B_PER_W)])

    half = B_PER_W // 2

    def issue_half(h, s):
        def issue(k, _):
            b0 = h * half + k * 16
            v = idx_v[pl.ds(b0, 16)]
            for i in range(16):
                pltpu.async_copy(
                    table_hbm.at[pl.ds(v[i], 1), :],
                    rows_v.at[pl.ds(b0 + i, 1), :],
                    s,
                )
            return 0

        lax.fori_loop(0, half // 16, issue, 0)

    lanes = lax.iota(jnp.int32, 16)

    def xpose_half(h):
        def xpose(j, _):
            col = lax.broadcast(j, (16,))
            for k in range(half // 16):
                bvec = lax.add(lanes, jnp.int32(h * half + k * 16))
                val = plsc.load_gather(rows_v, [bvec, col])
                tb_v[j, pl.ds(h * half + k * 16, 16)] = val
            return 0

        lax.fori_loop(0, EMBD_DIM, xpose, 0)

    issue_half(0, sem)
    issue_half(1, sem2)
    pltpu.make_async_copy(
        table_hbm.at[pl.ds(0, half), :], rows_v.at[pl.ds(0, half), :], sem
    ).wait()
    xpose_half(0)
    pltpu.make_async_copy(
        table_hbm.at[pl.ds(0, half), :], rows_v.at[pl.ds(half, half), :], sem2
    ).wait()
    xpose_half(1)
    pltpu.sync_copy(tb_v, out_hbm.at[:, pl.ds(base, B_PER_W)])


def kernel(spk_inds, embedding_table):
    out_t = _sc_gather(embedding_table, spk_inds.astype(jnp.int32))
    return out_t.T

# --- scband reference (transcript-rebuilt; emitter-appended) ---
"""Pipeline reference for scband-spkembedding-70196945486456 (READ-ONLY COPY).

The authoritative reference and input builder live on the scoring server;
editing this copy changes nothing except your own understanding.
"""

import jax, jax.numpy as jnp
import numpy as np

NUM_SPK = 100000
EMBD_DIM = 64
BATCH = 16384

def setup_inputs(seed: int = 0) -> dict:
    key = jax.random.key(seed)
    k1, k2 = jax.random.split(key)
    spk_inds = jax.random.randint(k1, (BATCH,), 0, NUM_SPK, dtype=jnp.int64 if jax.config.jax_enable_x64 else jnp.int32)
    embedding_table = jax.random.normal(k2, (NUM_SPK, EMBD_DIM), dtype=jnp.float32)
    return {"spk_inds": spk_inds, "embedding_table": embedding_table}

def reference(spk_inds, embedding_table):
    # nn.Embedding lookup: table[idx]
    return jnp.take(embedding_table, spk_inds, axis=0)

if __name__ == "__main__":
    import jax
    _d = setup_inputs()
    print(jax.jit(kernel)(*tuple(_d.values())))

</pallas_src>

<mosaic_0001>
#map = affine_map<(d0, d1) -> (0, 0)>
#map1 = affine_map<(d0, d1) -> (0)>
module attributes {stable_mosaic.version = 14 : i64} {
  func.func @_sc_gather(%arg0: i32, %arg1: i32, %arg2: memref<100000x64xf32, #tpu.memory_space<hbm>>, %arg3: memref<16384xi32, #tpu.memory_space<hbm>>, %arg4: memref<64x16384xf32, #tpu.memory_space<hbm>>, %arg5: memref<528xi32, #tpu.memory_space<vmem>>, %arg6: memref<512x64xf32, #tpu.memory_space<vmem>>, %arg7: memref<64x512xf32, #tpu.memory_space<vmem>>, %arg8: memref<!tpu.dma_semaphore, #tpu.memory_space<semaphore_mem>>, %arg9: memref<!tpu.dma_semaphore, #tpu.memory_space<semaphore_mem>>) attributes {dimension_semantics = [#tpu.dimension_semantics<core_parallel>, #tpu.dimension_semantics<subcore_parallel>], iteration_bounds = array<i64: 2, 16>, scalar_prefetch = 0 : i64, scratch_operands = 5 : i64, tpu.core_type = #tpu.core_type<sc_vector_subcore>, window_params = [{transform_indices = #map}, {transform_indices = #map1}, {transform_indices = #map}]} {
    %mul3A = arith.constant 2 : i32
    %mul3A_0 = arith.muli %arg1, %mul3A : i32
    %add3A = arith.addi %mul3A_0, %arg0 : i32
    %mul3A_1 = arith.constant 512 : i32
    %mul3A_2 = arith.muli %add3A, %mul3A_1 : i32
    "tpu.region"() ({
      %run_scoped3A = tpu.sem_alloc : memref<!tpu.dma_semaphore, #tpu.memory_space<semaphore_mem>>
      %dma_start3A = arith.constant 0 : i32
      %dma_start3A_53 = tpu.memref_slice %arg5[%dma_start3A] : memref<528xi32, #tpu.memory_space<vmem>> -> memref<512xi32, #tpu.memory_space<vmem>>
      %dma_start3A_54 = tpu.memref_slice %arg3[%mul3A_2] : memref<16384xi32, #tpu.memory_space<hbm>> -> memref<512xi32, #tpu.memory_space<hbm>>
      %dma_start3A_55 = arith.constant 0 : i32
      %dma_start3A_56 = tpu.memref_slice %arg5[%dma_start3A_55] : memref<528xi32, #tpu.memory_space<vmem>> -> memref<512xi32, #tpu.memory_space<vmem>>
      %dma_start3A_57 = tpu.memref_slice %arg3[%mul3A_2] : memref<16384xi32, #tpu.memory_space<hbm>> -> memref<512xi32, #tpu.memory_space<hbm>>
      tpu.enqueue_dma source(%dma_start3A_57 : memref<512xi32, #tpu.memory_space<hbm>>) target(%dma_start3A_56 : memref<512xi32, #tpu.memory_space<vmem>>) target_semaphore(%run_scoped3A : memref<!tpu.dma_semaphore, #tpu.memory_space<semaphore_mem>>)
      %dma_wait3A_58 = arith.constant 0 : i32
      %dma_wait3A_59 = tpu.memref_slice %arg5[%dma_wait3A_58] : memref<528xi32, #tpu.memory_space<vmem>> -> memref<512xi32, #tpu.memory_space<vmem>>
      %dma_wait3A_60 = tpu.memref_slice %arg3[%mul3A_2] : memref<16384xi32, #tpu.memory_space<hbm>> -> memref<512xi32, #tpu.memory_space<hbm>>
      %dma_wait3A_61 = arith.constant 0 : i32
      %dma_wait3A_62 = tpu.memref_slice %arg5[%dma_wait3A_61] : memref<528xi32, #tpu.memory_space<vmem>> -> memref<512xi32, #tpu.memory_space<vmem>>
      %dma_wait3A_63 = tpu.memref_slice %arg3[%mul3A_2] : memref<16384xi32, #tpu.memory_space<hbm>> -> memref<512xi32, #tpu.memory_space<hbm>>
      tpu.wait_dma2 semaphore(%run_scoped3A : memref<!tpu.dma_semaphore, #tpu.memory_space<semaphore_mem>>) src(%dma_wait3A_63 : memref<512xi32, #tpu.memory_space<hbm>>) dst(%dma_wait3A_62 : memref<512xi32, #tpu.memory_space<vmem>>)
      tpu.yield
    }) : () -> ()
    %iota3A = tpu.iota {dimensions = array<i32: 0>} : vector<16xi32>
    %scan3A = arith.constant 0 : i32
    %scan3A_3 = arith.constant 0 : i32
    %scan3A_4 = arith.constant 16 : i32
    %scan3A_5 = arith.addi %scan3A_3, %scan3A_4 : i32
    %scan3A_6 = arith.constant 1 : i32
    %scan3A_7 = scf.for %scan3A_53 = %scan3A_3 to %scan3A_5 step %scan3A_6 iter_args(%scan3A_54 = %scan3A) -> (i32)  : i32 {
      %mul3A_55 = arith.constant 16 : i32
      %mul3A_56 = arith.muli %scan3A_53, %mul3A_55 : i32
      %add3A_57 = arith.constant 0 : i32
      %add3A_58 = arith.addi %add3A_57, %mul3A_56 : i32
      %get3A = arith.index_cast %add3A_58 : i32 to index
      %get3A_59 = tpu.vector_load %arg5[%get3A] {strides = array<i32>} : memref<528xi32, #tpu.memory_space<vmem>>, vector<16xi32>,
      %slice3A = vector.extract_strided_slice %get3A_59 {offsets = [0], sizes = [1], strides = [1]} : vector<16xi32> to vector<1xi32>
      %squeeze3A = vector.extract %slice3A[0] : i32 from vector<1xi32>
      %add3A_60 = arith.constant 0 : i32
      %add3A_61 = arith.addi %add3A_58, %add3A_60 : i32
      %dma_start3A = arith.constant 0 : i32
      %dma_start3A_62 = tpu.memref_slice %arg6[%add3A_61, %dma_start3A] : memref<512x64xf32, #tpu.memory_space<vmem>> -> memref<1x64xf32, #tpu.memory_space<vmem>>
      %dma_start3A_63 = arith.constant 0 : i32
      %dma_start3A_64 = tpu.memref_slice %arg2[%squeeze3A, %dma_start3A_63] : memref<100000x64xf32, #tpu.memory_space<hbm>> -> memref<1x64xf32, #tpu.memory_space<hbm>>
      %dma_start3A_65 = arith.constant 0 : i32
      %dma_start3A_66 = tpu.memref_slice %arg6[%add3A_61, %dma_start3A_65] : memref<512x64xf32, #tpu.memory_space<vmem>> -> memref<1x64xf32, #tpu.memory_space<vmem>>
      %dma_start3A_67 = arith.constant 0 : i32
      %dma_start3A_68 = tpu.memref_slice %arg2[%squeeze3A, %dma_start3A_67] : memref<100000x64xf32, #tpu.memory_space<hbm>> -> memref<1x64xf32, #tpu.memory_space<hbm>>
      tpu.enqueue_dma source(%dma_start3A_68 : memref<1x64xf32, #tpu.memory_space<hbm>>) target(%dma_start3A_66 : memref<1x64xf32, #tpu.memory_space<vmem>>) target_semaphore(%arg8 : memref<!tpu.dma_semaphore, #tpu.memory_space<semaphore_mem>>)
      %slice3A_69 = vector.extract_strided_slice %get3A_59 {offsets = [1], sizes = [1], strides = [1]} : vector<16xi32> to vector<1xi32>
      %squeeze3A_70 = vector.extract %slice3A_69[0] : i32 from vector<1xi32>
      %add3A_71 = arith.constant 1 : i32
      %add3A_72 = arith.addi %add3A_58, %add3A_71 : i32
      %dma_start3A_73 = arith.constant 0 : i32
      %dma_start3A_74 = tpu.memref_slice %arg6[%add3A_72, %dma_start3A_73] : memref<512x64xf32, #tpu.memory_space<vmem>> -> memref<1x64xf32, #tpu.memory_space<vmem>>
      %dma_start3A_75 = arith.constant 0 : i32
      %dma_start3A_76 = tpu.memref_slice %arg2[%squeeze3A_70, %dma_start3A_75] : memref<100000x64xf32, #tpu.memory_space<hbm>> -> memref<1x64xf32, #tpu.memory_space<hbm>>
      %dma_start3A_77 = arith.constant 0 : i32
      %dma_start3A_78 = tpu.memref_slice %arg6[%add3A_72, %dma_start3A_77] : memref<512x64xf32, #tpu.memory_space<vmem>> -> memref<1x64xf32, #tpu.memory_space<vmem>>
      %dma_start3A_79 = arith.constant 0 : i32
      %dma_start3A_80 = tpu.memref_slice %arg2[%squeeze3A_70, %dma_start3A_79] : memref<100000x64xf32, #tpu.memory_space<hbm>> -> memref<1x64xf32, #tpu.memory_space<hbm>>
      tpu.enqueue_dma source(%dma_start3A_80 : memref<1x64xf32, #tpu.memory_space<hbm>>) target(%dma_start3A_78 : memref<1x64xf32, #tpu.memory_space<vmem>>) target_semaphore(%arg8 : memref<!tpu.dma_semaphore, #tpu.memory_space<semaphore_mem>>)
      %slice3A_81 = vector.extract_strided_slice %get3A_59 {offsets = [2], sizes = [1], strides = [1]} : vector<16xi32> to vector<1xi32>
      %squeeze3A_82 = vector.extract %slice3A_81[0] : i32 from vector<1xi32>
      %add3A_83 = arith.constant 2 : i32
      %add3A_84 = arith.addi %add3A_58, %add3A_83 : i32
      %dma_start3A_85 = arith.constant 0 : i32
      %dma_start3A_86 = tpu.memref_slice %arg6[%add3A_84, %dma_start3A_85] : memref<512x64xf32, #tpu.memory_space<vmem>> -> memref<1x64xf32, #tpu.memory_space<vmem>>
      %dma_start3A_87 = arith.constant 0 : i32
      %dma_start3A_88 = tpu.memref_slice %arg2[%squeeze3A_82, %dma_start3A_87] : memref<100000x64xf32, #tpu.memory_space<hbm>> -> memref<1x64xf32, #tpu.memory_space<hbm>>
      %dma_start3A_89 = arith.constant 0 : i32
      %dma_start3A_90 = tpu.memref_slice %arg6[%add3A_84, %dma_start3A_89] : memref<512x64xf32, #tpu.memory_space<vmem>> -> memref<1x64xf32, #tpu.memory_space<vmem>>
      %dma_start3A_91 = arith.constant 0 : i32
      %dma_start3A_92 = tpu.memref_slice %arg2[%squeeze3A_82, %dma_start3A_91] : memref<100000x64xf32, #tpu.memory_space<hbm>> -> memref<1x64xf32, #tpu.memory_space<hbm>>
      tpu.enqueue_dma source(%dma_start3A_92 : memref<1x64xf32, #tpu.memory_space<hbm>>) target(%dma_start3A_90 : memref<1x64xf32, #tpu.memory_space<vmem>>) target_semaphore(%arg8 : memref<!tpu.dma_semaphore, #tpu.memory_space<semaphore_mem>>)
      %slice3A_93 = vector.extract_strided_slice %get3A_59 {offsets = [3], sizes = [1], strides = [1]} : vector<16xi32> to vector<1xi32>
      %squeeze3A_94 = vector.extract %slice3A_93[0] : i32 from vector<1xi32>
      %add3A_95 = arith.constant 3 : i32
      %add3A_96 = arith.addi %add3A_58, %add3A_95 : i32
      %dma_start3A_97 = arith.constant 0 : i32
      %dma_start3A_98 = tpu.memref_slice %arg6[%add3A_96, %dma_start3A_97] : memref<512x64xf32, #tpu.memory_space<vmem>> -> memref<1x64xf32, #tpu.memory_space<vmem>>
      %dma_start3A_99 = arith.constant 0 : i32
      %dma_start3A_100 = tpu.memref_slice %arg2[%squeeze3A_94, %dma_start3A_99] : memref<100000x64xf32, #tpu.memory_space<hbm>> -> memref<1x64xf32, #tpu.memory_space<hbm>>
      %dma_start3A_101 = arith.constant 0 : i32
      %dma_start3A_102 = tpu.memref_slice %arg6[%add3A_96, %dma_start3A_101] : memref<512x64xf32, #tpu.memory_space<vmem>> -> memref<1x64xf32, #tpu.memory_space<vmem>>
      %dma_start3A_103 = arith.constant 0 : i32
      %dma_start3A_104 = tpu.memref_slice %arg2[%squeeze3A_94, %dma_start3A_103] : memref<100000x64xf32, #tpu.memory_space<hbm>> -> memref<1x64xf32, #tpu.memory_space<hbm>>
      tpu.enqueue_dma source(%dma_start3A_104 : memref<1x64xf32, #tpu.memory_space<hbm>>) target(%dma_start3A_102 : memref<1x64xf32, #tpu.memory_space<vmem>>) target_semaphore(%arg8 : memref<!tpu.dma_semaphore, #tpu.memory_space<semaphore_mem>>)
      %slice3A_105 = vector.extract_strided_slice %get3A_59 {offsets = [4], sizes = [1], strides = [1]} : vector<16xi32> to vector<1xi32>
      %squeeze3A_106 = vector.extract %slice3A_105[0] : i32 from vector<1xi32>
      %add3A_107 = arith.constant 4 : i32
      %add3A_108 = arith.addi %add3A_58, %add3A_107 : i32
      %dma_start3A_109 = arith.constant 0 : i32
      %dma_start3A_110 = tpu.memref_slice %arg6[%add3A_108, %dma_start3A_109] : memref<512x64xf32, #tpu.memory_space<vmem>> -> memref<1x64xf32, #tpu.memory_space<vmem>>
      %dma_start3A_111 = arith.constant 0 : i32
      %dma_start3A_112 = tpu.memref_slice %arg2[%squeeze3A_106, %dma_start3A_111] : memref<100000x64xf32, #tpu.memory_space<hbm>> -> memref<1x64xf32, #tpu.memory_space<hbm>>
      %dma_start3A_113 = arith.constant 0 : i32
      %dma_start3A_114 = tpu.memref_slice %arg6[%add3A_108, %dma_start3A_113] : memref<512x64xf32, #tpu.memory_space<vmem>> -> memref<1x64xf32, #tpu.memory_space<vmem>>
      %dma_start3A_115 = arith.constant 0 : i32
      %dma_start3A_116 = tpu.memref_slice %arg2[%squeeze3A_106, %dma_start3A_115] : memref<100000x64xf32, #tpu.memory_space<hbm>> -> memref<1x64xf32, #tpu.memory_space<hbm>>
      tpu.enqueue_dma source(%dma_start3A_116 : memref<1x64xf32, #tpu.memory_space<hbm>>) target(%dma_start3A_114 : memref<1x64xf32, #tpu.memory_space<vmem>>) target_semaphore(%arg8 : memref<!tpu.dma_semaphore, #tpu.memory_space<semaphore_mem>>)
      %slice3A_117 = vector.extract_strided_slice %get3A_59 {offsets = [5], sizes = [1], strides = [1]} : vector<16xi32> to vector<1xi32>
      %squeeze3A_118 = vector.extract %slice3A_117[0] : i32 from vector<1xi32>
      %add3A_119 = arith.constant 5 : i32
      %add3A_120 = arith.addi %add3A_58, %add3A_119 : i32
      %dma_start3A_121 = arith.constant 0 : i32
      %dma_start3A_122 = tpu.memref_slice %arg6[%add3A_120, %dma_start3A_121] : memref<512x64xf32, #tpu.memory_space<vmem>> -> memref<1x64xf32, #tpu.memory_space<vmem>>
      %dma_start3A_123 = arith.constant 0 : i32
      %dma_start3A_124 = tpu.memref_slice %arg2[%squeeze3A_118, %dma_start3A_123] : memref<100000x64xf32, #tpu.memory_space<hbm>> -> memref<1x64xf32, #tpu.memory_space<hbm>>
      %dma_start3A_125 = arith.constant 0 : i32
      %dma_start3A_126 = tpu.memref_slice %arg6[%add3A_120, %dma_start3A_125] : memref<512x64xf32, #tpu.memory_space<vmem>> -> memref<1x64xf32, #tpu.memory_space<vmem>>
      %dma_start3A_127 = arith.constant 0 : i32
      %dma_start3A_128 = tpu.memref_slice %arg2[%squeeze3A_118, %dma_start3A_127] : memref<100000x64xf32, #tpu.memory_space<hbm>> -> memref<1x64xf32, #tpu.memory_space<hbm>>
      tpu.enqueue_dma source(%dma_start3A_128 : memref<1x64xf32, #tpu.memory_space<hbm>>) target(%dma_start3A_126 : memref<1x64xf32, #tpu.memory_space<vmem>>) target_semaphore(%arg8 : memref<!tpu.dma_semaphore, #tpu.memory_space<semaphore_mem>>)
      %slice3A_129 = vector.extract_strided_slice %get3A_59 {offsets = [6], sizes = [1], strides = [1]} : vector<16xi32> to vector<1xi32>
      %squeeze3A_130 = vector.extract %slice3A_129[0] : i32 from vector<1xi32>
      %add3A_131 = arith.constant 6 : i32
      %add3A_132 = arith.addi %add3A_58, %add3A_131 : i32
      %dma_start3A_133 = arith.constant 0 : i32
      %dma_start3A_134 = tpu.memref_slice %arg6[%add3A_132, %dma_start3A_133] : memref<512x64xf32, #tpu.memory_space<vmem>> -> memref<1x64xf32, #tpu.memory_space<vmem>>
      %dma_start3A_135 = arith.constant 0 : i32
      %dma_start3A_136 = tpu.memref_slice %arg2[%squeeze3A_130, %dma_start3A_135] : memref<100000x64xf32, #tpu.memory_space<hbm>> -> memref<1x64xf32, #tpu.memory_space<hbm>>
      %dma_start3A_137 = arith.constant 0 : i32
      %dma_start3A_138 = tpu.memref_slice %arg6[%add3A_132, %dma_start3A_137] : memref<512x64xf32, #tpu.memory_space<vmem>> -> memref<1x64xf32, #tpu.memory_space<vmem>>
      %dma_start3A_139 = arith.constant 0 : i32
      %dma_start3A_140 = tpu.memref_slice %arg2[%squeeze3A_130, %dma_start3A_139] : memref<100000x64xf32, #tpu.memory_space<hbm>> -> memref<1x64xf32, #tpu.memory_space<hbm>>
      tpu.enqueue_dma source(%dma_start3A_140 : memref<1x64xf32, #tpu.memory_space<hbm>>) target(%dma_start3A_138 : memref<1x64xf32, #tpu.memory_space<vmem>>) target_semaphore(%arg8 : memref<!tpu.dma_semaphore, #tpu.memory_space<semaphore_mem>>)
      %slice3A_141 = vector.extract_strided_slice %get3A_59 {offsets = [7], sizes = [1], strides = [1]} : vector<16xi32> to vector<1xi32>
      %squeeze3A_142 = vector.extract %slice3A_141[0] : i32 from vector<1xi32>
      %add3A_143 = arith.constant 7 : i32
      %add3A_144 = arith.addi %add3A_58, %add3A_143 : i32
      %dma_start3A_145 = arith.constant 0 : i32
      %dma_start3A_146 = tpu.memref_slice %arg6[%add3A_144, %dma_start3A_145] : memref<512x64xf32, #tpu.memory_space<vmem>> -> memref<1x64xf32, #tpu.memory_space<vmem>>
      %dma_start3A_147 = arith.constant 0 : i32
      %dma_start3A_148 = tpu.memref_slice %arg2[%squeeze3A_142, %dma_start3A_147] : memref<100000x64xf32, #tpu.memory_space<hbm>> -> memref<1x64xf32, #tpu.memory_space<hbm>>
      %dma_start3A_149 = arith.constant 0 : i32
      %dma_start3A_150 = tpu.memref_slice %arg6[%add3A_144, %dma_start3A_149] : memref<512x64xf32, #tpu.memory_space<vmem>> -> memref<1x64xf32, #tpu.memory_space<vmem>>
      %dma_start3A_151 = arith.constant 0 : i32
      %dma_start3A_152 = tpu.memref_slice %arg2[%squeeze3A_142, %dma_start3A_151] : memref<100000x64xf32, #tpu.memory_space<hbm>> -> memref<1x64xf32, #tpu.memory_space<hbm>>
      tpu.enqueue_dma source(%dma_start3A_152 : memref<1x64xf32, #tpu.memory_space<hbm>>) target(%dma_start3A_150 : memref<1x64xf32, #tpu.memory_space<vmem>>) target_semaphore(%arg8 : memref<!tpu.dma_semaphore, #tpu.memory_space<semaphore_mem>>)
      %slice3A_153 = vector.extract_strided_slice %get3A_59 {offsets = [8], sizes = [1], strides = [1]} : vector<16xi32> to vector<1xi32>
      %squeeze3A_154 = vector.extract %slice3A_153[0] : i32 from vector<1xi32>
      %add3A_155 = arith.constant 8 : i32
      %add3A_156 = arith.addi %add3A_58, %add3A_155 : i32
      %dma_start3A_157 = arith.constant 0 : i32
      %dma_start3A_158 = tpu.memref_slice %arg6[%add3A_156, %dma_start3A_157] : memref<512x64xf32, #tpu.memory_space<vmem>> -> memref<1x64xf32, #tpu.memory_space<vmem>>
      %dma_start3A_159 = arith.constant 0 : i32
      %dma_start3A_160 = tpu.memref_slice %arg2[%squeeze3A_154, %dma_start3A_159] : memref<100000x64xf32, #tpu.memory_space<hbm>> -> memref<1x64xf32, #tpu.memory_space<hbm>>
      %dma_start3A_161 = arith.constant 0 : i32
      %dma_start3A_162 = tpu.memref_slice %arg6[%add3A_156, %dma_start3A_161] : memref<512x64xf32, #tpu.memory_space<vmem>> -> memref<1x64xf32, #tpu.memory_space<vmem>>
      %dma_start3A_163 = arith.constant 0 : i32
      %dma_start3A_164 = tpu.memref_slice %arg2[%squeeze3A_154, %dma_start3A_163] : memref<100000x64xf32, #tpu.memory_space<hbm>> -> memref<1x64xf32, #tpu.memory_space<hbm>>
      tpu.enqueue_dma source(%dma_start3A_164 : memref<1x64xf32, #tpu.memory_space<hbm>>) target(%dma_start3A_162 : memref<1x64xf32, #tpu.memory_space<vmem>>) target_semaphore(%arg8 : memref<!tpu.dma_semaphore, #tpu.memory_space<semaphore_mem>>)
      %slice3A_165 = vector.extract_strided_slice %get3A_59 {offsets = [9], sizes = [1], strides = [1]} : vector<16xi32> to vector<1xi32>
      %squeeze3A_166 = vector.extract %slice3A_165[0] : i32 from vector<1xi32>
      %add3A_167 = arith.constant 9 : i32
      %add3A_168 = arith.addi %add3A_58, %add3A_167 : i32
      %dma_start3A_169 = arith.constant 0 : i32
      %dma_start3A_170 = tpu.memref_slice %arg6[%add3A_168, %dma_start3A_169] : memref<512x64xf32, #tpu.memory_space<vmem>> -> memref<1x64xf32, #tpu.memory_space<vmem>>
      %dma_start3A_171 = arith.constant 0 : i32
      %dma_start3A_172 = tpu.memref_slice %arg2[%squeeze3A_166, %dma_start3A_171] : memref<100000x64xf32, #tpu.memory_space<hbm>> -> memref<1x64xf32, #tpu.memory_space<hbm>>
      %dma_start3A_173 = arith.constant 0 : i32
      %dma_start3A_174 = tpu.memref_slice %arg6[%add3A_168, %dma_start3A_173] : memref<512x64xf32, #tpu.memory_space<vmem>> -> memref<1x64xf32, #tpu.memory_space<vmem>>
      %dma_start3A_175 = arith.constant 0 : i32
      %dma_start3A_176 = tpu.memref_slice %arg2[%squeeze3A_166, %dma_start3A_175] : memref<100000x64xf32, #tpu.memory_space<hbm>> -> memref<1x64xf32, #tpu.memory_space<hbm>>
      tpu.enqueue_dma source(%dma_start3A_176 : memref<1x64xf32, #tpu.memory_space<hbm>>) target(%dma_start3A_174 : memref<1x64xf32, #tpu.memory_space<vmem>>) target_semaphore(%arg8 : memref<!tpu.dma_semaphore, #tpu.memory_space<semaphore_mem>>)
      %slice3A_177 = vector.extract_strided_slice %get3A_59 {offsets = [10], sizes = [1], strides = [1]} : vector<16xi32> to vector<1xi32>
      %squeeze3A_178 = vector.extract %slice3A_177[0] : i32 from vector<1xi32>
      %add3A_179 = arith.constant 10 : i32
      %add3A_180 = arith.addi %add3A_58, %add3A_179 : i32
      %dma_start3A_181 = arith.constant 0 : i32
      %dma_start3A_182 = tpu.memref_slice %arg6[%add3A_180, %dma_start3A_181] : memref<512x64xf32, #tpu.memory_space<vmem>> -> memref<1x64xf32, #tpu.memory_space<vmem>>
      %dma_start3A_183 = arith.constant 0 : i32
      %dma_start3A_184 = tpu.memref_slice %arg2[%squeeze3A_178, %dma_start3A_183] : memref<100000x64xf32, #tpu.memory_space<hbm>> -> memref<1x64xf32, #tpu.memory_space<hbm>>
      %dma_start3A_185 = arith.constant 0 : i32
      %dma_start3A_186 = tpu.memref_slice %arg6[%add3A_180, %dma_start3A_185] : memref<512x64xf32, #tpu.memory_space<vmem>> -> memref<1x64xf32, #tpu.memory_space<vmem>>
      %dma_start3A_187 = arith.constant 0 : i32
      %dma_start3A_188 = tpu.memref_slice %arg2[%squeeze3A_178, %dma_start3A_187] : memref<100000x64xf32, #tpu.memory_space<hbm>> -> memref<1x64xf32, #tpu.memory_space<hbm>>
      tpu.enqueue_dma source(%dma_start3A_188 : memref<1x64xf32, #tpu.memory_space<hbm>>) target(%dma_start3A_186 : memref<1x64xf32, #tpu.memory_space<vmem>>) target_semaphore(%arg8 : memref<!tpu.dma_semaphore, #tpu.memory_space<semaphore_mem>>)
      %slice3A_189 = vector.extract_strided_slice %get3A_59 {offsets = [11], sizes = [1], strides = [1]} : vector<16xi32> to vector<1xi32>
      %squeeze3A_190 = vector.extract %slice3A_189[0] : i32 from vector<1xi32>
      %add3A_191 = arith.constant 11 : i32
      %add3A_192 = arith.addi %add3A_58, %add3A_191 : i32
      %dma_start3A_193 = arith.constant 0 : i32
      %dma_start3A_194 = tpu.memref_slice %arg6[%add3A_192, %dma_start3A_193] : memref<512x64xf32, #tpu.memory_space<vmem>> -> memref<1x64xf32, #tpu.memory_space<vmem>>
      %dma_start3A_195 = arith.constant 0 : i32
      %dma_start3A_196 = tpu.memref_slice %arg2[%squeeze3A_190, %dma_start3A_195] : memref<100000x64xf32, #tpu.memory_space<hbm>> -> memref<1x64xf32, #tpu.memory_space<hbm>>
      %dma_start3A_197 = arith.constant 0 : i32
      %dma_start3A_198 = tpu.memref_slice %arg6[%add3A_192, %dma_start3A_197] : memref<512x64xf32, #tpu.memory_space<vmem>> -> memref<1x64xf32, #tpu.memory_space<vmem>>
      %dma_start3A_199 = arith.constant 0 : i32
      %dma_start3A_200 = tpu.memref_slice %arg2[%squeeze3A_190, %dma_start3A_199] : memref<100000x64xf32, #tpu.memory_space<hbm>> -> memref<1x64xf32, #tpu.memory_space<hbm>>
      tpu.enqueue_dma source(%dma_start3A_200 : memref<1x64xf32, #tpu.memory_space<hbm>>) target(%dma_start3A_198 : memref<1x64xf32, #tpu.memory_space<vmem>>) target_semaphore(%arg8 : memref<!tpu.dma_semaphore, #tpu.memory_space<semaphore_mem>>)
      %slice3A_201 = vector.extract_strided_slice %get3A_59 {offsets = [12], sizes = [1], strides = [1]} : vector<16xi32> to vector<1xi32>
      %squeeze3A_202 = vector.extract %slice3A_201[0] : i32 from vector<1xi32>
      %add3A_203 = arith.constant 12 : i32
      %add3A_204 = arith.addi %add3A_58, %add3A_203 : i32
      %dma_start3A_205 = arith.constant 0 : i32
      %dma_start3A_206 = tpu.memref_slice %arg6[%add3A_204, %dma_start3A_205] : memref<512x64xf32, #tpu.memory_space<vmem>> -> memref<1x64xf32, #tpu.memory_space<vmem>>
      %dma_start3A_207 = arith.constant 0 : i32
      %dma_start3A_208 = tpu.memref_slice %arg2[%squeeze3A_202, %dma_start3A_207] : memref<100000x64xf32, #tpu.memory_space<hbm>> -> memref<1x64xf32, #tpu.memory_space<hbm>>
      %dma_start3A_209 = arith.constant 0 : i32
      %dma_start3A_210 = tpu.memref_slice %arg6[%add3A_204, %dma_start3A_209] : memref<512x64xf32, #tpu.memory_space<vmem>> -> memref<1x64xf32, #tpu.memory_space<vmem>>
      %dma_start3A_211 = arith.constant 0 : i32
      %dma_start3A_212 = tpu.memref_slice %arg2[%squeeze3A_202, %dma_start3A_211] : memref<100000x64xf32, #tpu.memory_space<hbm>> -> memref<1x64xf32, #tpu.memory_space<hbm>>
      tpu.enqueue_dma source(%dma_start3A_212 : memref<1x64xf32, #tpu.memory_space<hbm>>) target(%dma_start3A_210 : memref<1x64xf32, #tpu.memory_space<vmem>>) target_semaphore(%arg8 : memref<!tpu.dma_semaphore, #tpu.memory_space<semaphore_mem>>)
      %slice3A_213 = vector.extract_strided_slice %get3A_59 {offsets = [13], sizes = [1], strides = [1]} : vector<16xi32> to vector<1xi32>
      %squeeze3A_214 = vector.extract %slice3A_213[0] : i32 from vector<1xi32>
      %add3A_215 = arith.constant 13 : i32
      %add3A_216 = arith.addi %add3A_58, %add3A_215 : i32
      %dma_start3A_217 = arith.constant 0 : i32
      %dma_start3A_218 = tpu.memref_slice %arg6[%add3A_216, %dma_start3A_217] : memref<512x64xf32, #tpu.memory_space<vmem>> -> memref<1x64xf32, #tpu.memory_space<vmem>>
      %dma_start3A_219 = arith.constant 0 : i32
      %dma_start3A_220 = tpu.memref_slice %arg2[%squeeze3A_214, %dma_start3A_219] : memref<100000x64xf32, #tpu.memory_space<hbm>> -> memref<1x64xf32, #tpu.memory_space<hbm>>
      %dma_start3A_221 = arith.constant 0 : i32
      %dma_start3A_222 = tpu.memref_slice %arg6[%add3A_216, %dma_start3A_221] : memref<512x64xf32, #tpu.memory_space<vmem>> -> memref<1x64xf32, #tpu.memory_space<vmem>>
      %dma_start3A_223 = arith.constant 0 : i32
      %dma_start3A_224 = tpu.memref_slice %arg2[%squeeze3A_214, %dma_start3A_223] : memref<100000x64xf32, #tpu.memory_space<hbm>> -> memref<1x64xf32, #tpu.memory_space<hbm>>
      tpu.enqueue_dma source(%dma_start3A_224 : memref<1x64xf32, #tpu.memory_space<hbm>>) target(%dma_start3A_222 : memref<1x64xf32, #tpu.memory_space<vmem>>) target_semaphore(%arg8 : memref<!tpu.dma_semaphore, #tpu.memory_space<semaphore_mem>>)
      %slice3A_225 = vector.extract_strided_slice %get3A_59 {offsets = [14], sizes = [1], strides = [1]} : vector<16xi32> to vector<1xi32>
      %squeeze3A_226 = vector.extract %slice3A_225[0] : i32 from vector<1xi32>
      %add3A_227 = arith.constant 14 : i32
      %add3A_228 = arith.addi %add3A_58, %add3A_227 : i32
      %dma_start3A_229 = arith.constant 0 : i32
      %dma_start3A_230 = tpu.memref_slice %arg6[%add3A_228, %dma_start3A_229] : memref<512x64xf32, #tpu.memory_space<vmem>> -> memref<1x64xf32, #tpu.memory_space<vmem>>
      %dma_start3A_231 = arith.constant 0 : i32
      %dma_start3A_232 = tpu.memref_slice %arg2[%squeeze3A_226, %dma_start3A_231] : memref<100000x64xf32, #tpu.memory_space<hbm>> -> memref<1x64xf32, #tpu.memory_space<hbm>>
      %dma_start3A_233 = arith.constant 0 : i32
      %dma_start3A_234 = tpu.memref_slice %arg6[%add3A_228, %dma_start3A_233] : memref<512x64xf32, #tpu.memory_space<vmem>> -> memref<1x64xf32, #tpu.memory_space<vmem>>
      %dma_start3A_235 = arith.constant 0 : i32
      %dma_start3A_236 = tpu.memref_slice %arg2[%squeeze3A_226, %dma_start3A_235] : memref<100000x64xf32, #tpu.memory_space<hbm>> -> memref<1x64xf32, #tpu.memory_space<hbm>>
      tpu.enqueue_dma source(%dma_start3A_236 : memref<1x64xf32, #tpu.memory_space<hbm>>) target(%dma_start3A_234 : memref<1x64xf32, #tpu.memory_space<vmem>>) target_semaphore(%arg8 : memref<!tpu.dma_semaphore, #tpu.memory_space<semaphore_mem>>)
      %slice3A_237 = vector.extract_strided_slice %get3A_59 {offsets = [15], sizes = [1], strides = [1]} : vector<16xi32> to vector<1xi32>
      %squeeze3A_238 = vector.extract %slice3A_237[0] : i32 from vector<1xi32>
      %add3A_239 = arith.constant 15 : i32
      %add3A_240 = arith.addi %add3A_58, %add3A_239 : i32
      %dma_start3A_241 = arith.constant 0 : i32
      %dma_start3A_242 = tpu.memref_slice %arg6[%add3A_240, %dma_start3A_241] : memref<512x64xf32, #tpu.memory_space<vmem>> -> memref<1x64xf32, #tpu.memory_space<vmem>>
      %dma_start3A_243 = arith.constant 0 : i32
      %dma_start3A_244 = tpu.memref_slice %arg2[%squeeze3A_238, %dma_start3A_243] : memref<100000x64xf32, #tpu.memory_space<hbm>> -> memref<1x64xf32, #tpu.memory_space<hbm>>
      %dma_start3A_245 = arith.constant 0 : i32
      %dma_start3A_246 = tpu.memref_slice %arg6[%add3A_240, %dma_start3A_245] : memref<512x64xf32, #tpu.memory_space<vmem>> -> memref<1x64xf32, #tpu.memory_space<vmem>>
      %dma_start3A_247 = arith.constant 0 : i32
      %dma_start3A_248 = tpu.memref_slice %arg2[%squeeze3A_238, %dma_start3A_247] : memref<100000x64xf32, #tpu.memory_space<hbm>> -> memref<1x64xf32, #tpu.memory_space<hbm>>
      tpu.enqueue_dma source(%dma_start3A_248 : memref<1x64xf32, #tpu.memory_space<hbm>>) target(%dma_start3A_246 : memref<1x64xf32, #tpu.memory_space<vmem>>) target_semaphore(%arg8 : memref<!tpu.dma_semaphore, #tpu.memory_space<semaphore_mem>>)
      %scan3A_249 = arith.constant 0 : i32
      scf.yield %scan3A_249 : i32
    }
    %scan3A_8 = arith.constant 16 : i32
    %scan3A_9 = arith.constant 0 : i32
    %scan3A_10 = arith.constant 0 : i32
    %scan3A_11 = arith.constant 16 : i32
    %scan3A_12 = arith.addi %scan3A_10, %scan3A_11 : i32
    %scan3A_13 = arith.constant 1 : i32
    %scan3A_14 = scf.for %scan3A_53 = %scan3A_10 to %scan3A_12 step %scan3A_13 iter_args(%scan3A_54 = %scan3A_9) -> (i32)  : i32 {
      %mul3A_55 = arith.constant 16 : i32
      %mul3A_56 = arith.muli %scan3A_53, %mul3A_55 : i32
      %add3A_57 = arith.constant 256 : i32
      %add3A_58 = arith.addi %add3A_57, %mul3A_56 : i32
      %get3A = arith.index_cast %add3A_58 : i32 to index
      %get3A_59 = tpu.vector_load %arg5[%get3A] {strides = array<i32>} : memref<528xi32, #tpu.memory_space<vmem>>, vector<16xi32>,
      %slice3A = vector.extract_strided_slice %get3A_59 {offsets = [0], sizes = [1], strides = [1]} : vector<16xi32> to vector<1xi32>
      %squeeze3A = vector.extract %slice3A[0] : i32 from vector<1xi32>
      %add3A_60 = arith.constant 0 : i32
      %add3A_61 = arith.addi %add3A_58, %add3A_60 : i32
      %dma_start3A = arith.constant 0 : i32
      %dma_start3A_62 = tpu.memref_slice %arg6[%add3A_61, %dma_start3A] : memref<512x64xf32, #tpu.memory_space<vmem>> -> memref<1x64xf32, #tpu.memory_space<vmem>>
      %dma_start3A_63 = arith.constant 0 : i32
      %dma_start3A_64 = tpu.memref_slice %arg2[%squeeze3A, %dma_start3A_63] : memref<100000x64xf32, #tpu.memory_space<hbm>> -> memref<1x64xf32, #tpu.memory_space<hbm>>
      %dma_start3A_65 = arith.constant 0 : i32
      %dma_start3A_66 = tpu.memref_slice %arg6[%add3A_61, %dma_start3A_65] : memref<512x64xf32, #tpu.memory_space<vmem>> -> memref<1x64xf32, #tpu.memory_space<vmem>>
      %dma_start3A_67 = arith.constant 0 : i32
      %dma_start3A_68 = tpu.memref_slice %arg2[%squeeze3A, %dma_start3A_67] : memref<100000x64xf32, #tpu.memory_space<hbm>> -> memref<1x64xf32, #tpu.memory_space<hbm>>
      tpu.enqueue_dma source(%dma_start3A_68 : memref<1x64xf32, #tpu.memory_space<hbm>>) target(%dma_start3A_66 : memref<1x64xf32, #tpu.memory_space<vmem>>) target_semaphore(%arg9 : memref<!tpu.dma_semaphore, #tpu.memory_space<semaphore_mem>>)
      %slice3A_69 = vector.extract_strided_slice %get3A_59 {offsets = [1], sizes = [1], strides = [1]} : vector<16xi32> to vector<1xi32>
      %squeeze3A_70 = vector.extract %slice3A_69[0] : i32 from vector<1xi32>
      %add3A_71 = arith.constant 1 : i32
      %add3A_72 = arith.addi %add3A_58, %add3A_71 : i32
      %dma_start3A_73 = arith.constant 0 : i32
      %dma_start3A_74 = tpu.memref_slice %arg6[%add3A_72, %dma_start3A_73] : memref<512x64xf32, #tpu.memory_space<vmem>> -> memref<1x64xf32, #tpu.memory_space<vmem>>
      %dma_start3A_75 = arith.constant 0 : i32
      %dma_start3A_76 = tpu.memref_slice %arg2[%squeeze3A_70, %dma_start3A_75] : memref<100000x64xf32, #tpu.memory_space<hbm>> -> memref<1x64xf32, #tpu.memory_space<hbm>>
      %dma_start3A_77 = arith.constant 0 : i32
      %dma_start3A_78 = tpu.memref_slice %arg6[%add3A_72, %dma_start3A_77] : memref<512x64xf32, #tpu.memory_space<vmem>> -> memref<1x64xf32, #tpu.memory_space<vmem>>
      %dma_start3A_79 = arith.constant 0 : i32
      %dma_start3A_80 = tpu.memref_slice %arg2[%squeeze3A_70, %dma_start3A_79] : memref<100000x64xf32, #tpu.memory_space<hbm>> -> memref<1x64xf32, #tpu.memory_space<hbm>>
      tpu.enqueue_dma source(%dma_start3A_80 : memref<1x64xf32, #tpu.memory_space<hbm>>) target(%dma_start3A_78 : memref<1x64xf32, #tpu.memory_space<vmem>>) target_semaphore(%arg9 : memref<!tpu.dma_semaphore, #tpu.memory_space<semaphore_mem>>)
      %slice3A_81 = vector.extract_strided_slice %get3A_59 {offsets = [2], sizes = [1], strides = [1]} : vector<16xi32> to vector<1xi32>
      %squeeze3A_82 = vector.extract %slice3A_81[0] : i32 from vector<1xi32>
      %add3A_83 = arith.constant 2 : i32
      %add3A_84 = arith.addi %add3A_58, %add3A_83 : i32
      %dma_start3A_85 = arith.constant 0 : i32
      %dma_start3A_86 = tpu.memref_slice %arg6[%add3A_84, %dma_start3A_85] : memref<512x64xf32, #tpu.memory_space<vmem>> -> memref<1x64xf32, #tpu.memory_space<vmem>>
      %dma_start3A_87 = arith.constant 0 : i32
      %dma_start3A_88 = tpu.memref_slice %arg2[%squeeze3A_82, %dma_start3A_87] : memref<100000x64xf32, #tpu.memory_space<hbm>> -> memref<1x64xf32, #tpu.memory_space<hbm>>
      %dma_start3A_89 = arith.constant 0 : i32
      %dma_start3A_90 = tpu.memref_slice %arg6[%add3A_84, %dma_start3A_89] : memref<512x64xf32, #tpu.memory_space<vmem>> -> memref<1x64xf32, #tpu.memory_space<vmem>>
      %dma_start3A_91 = arith.constant 0 : i32
      %dma_start3A_92 = tpu.memref_slice %arg2[%squeeze3A_82, %dma_start3A_91] : memref<100000x64xf32, #tpu.memory_space<hbm>> -> memref<1x64xf32, #tpu.memory_space<hbm>>
      tpu.enqueue_dma source(%dma_start3A_92 : memref<1x64xf32, #tpu.memory_space<hbm>>) target(%dma_start3A_90 : memref<1x64xf32, #tpu.memory_space<vmem>>) target_semaphore(%arg9 : memref<!tpu.dma_semaphore, #tpu.memory_space<semaphore_mem>>)
      %slice3A_93 = vector.extract_strided_slice %get3A_59 {offsets = [3], sizes = [1], strides = [1]} : vector<16xi32> to vector<1xi32>
      %squeeze3A_94 = vector.extract %slice3A_93[0] : i32 from vector<1xi32>
      %add3A_95 = arith.constant 3 : i32
      %add3A_96 = arith.addi %add3A_58, %add3A_95 : i32
      %dma_start3A_97 = arith.constant 0 : i32
      %dma_start3A_98 = tpu.memref_slice %arg6[%add3A_96, %dma_start3A_97] : memref<512x64xf32, #tpu.memory_space<vmem>> -> memref<1x64xf32, #tpu.memory_space<vmem>>
      %dma_start3A_99 = arith.constant 0 : i32
      %dma_start3A_100 = tpu.memref_slice %arg2[%squeeze3A_94, %dma_start3A_99] : memref<100000x64xf32, #tpu.memory_space<hbm>> -> memref<1x64xf32, #tpu.memory_space<hbm>>
      %dma_start3A_101 = arith.constant 0 : i32
      %dma_start3A_102 = tpu.memref_slice %arg6[%add3A_96, %dma_start3A_101] : memref<512x64xf32, #tpu.memory_space<vmem>> -> memref<1x64xf32, #tpu.memory_space<vmem>>
      %dma_start3A_103 = arith.constant 0 : i32
      %dma_start3A_104 = tpu.memref_slice %arg2[%squeeze3A_94, %dma_start3A_103] : memref<100000x64xf32, #tpu.memory_space<hbm>> -> memref<1x64xf32, #tpu.memory_space<hbm>>
      tpu.enqueue_dma source(%dma_start3A_104 : memref<1x64xf32, #tpu.memory_space<hbm>>) target(%dma_start3A_102 : memref<1x64xf32, #tpu.memory_space<vmem>>) target_semaphore(%arg9 : memref<!tpu.dma_semaphore, #tpu.memory_space<semaphore_mem>>)
      %slice3A_105 = vector.extract_strided_slice %get3A_59 {offsets = [4], sizes = [1], strides = [1]} : vector<16xi32> to vector<1xi32>
      %squeeze3A_106 = vector.extract %slice3A_105[0] : i32 from vector<1xi32>
      %add3A_107 = arith.constant 4 : i32
      %add3A_108 = arith.addi %add3A_58, %add3A_107 : i32
      %dma_start3A_109 = arith.constant 0 : i32
      %dma_start3A_110 = tpu.memref_slice %arg6[%add3A_108, %dma_start3A_109] : memref<512x64xf32, #tpu.memory_space<vmem>> -> memref<1x64xf32, #tpu.memory_space<vmem>>
      %dma_start3A_111 = arith.constant 0 : i32
      %dma_start3A_112 = tpu.memref_slice %arg2[%squeeze3A_106, %dma_start3A_111] : memref<100000x64xf32, #tpu.memory_space<hbm>> -> memref<1x64xf32, #tpu.memory_space<hbm>>
      %dma_start3A_113 = arith.constant 0 : i32
      %dma_start3A_114 = tpu.memref_slice %arg6[%add3A_108, %dma_start3A_113] : memref<512x64xf32, #tpu.memory_space<vmem>> -> memref<1x64xf32, #tpu.memory_space<vmem>>
      %dma_start3A_115 = arith.constant 0 : i32
      %dma_start3A_116 = tpu.memref_slice %arg2[%squeeze3A_106, %dma_start3A_115] : memref<100000x64xf32, #tpu.memory_space<hbm>> -> memref<1x64xf32, #tpu.memory_space<hbm>>
      tpu.enqueue_dma source(%dma_start3A_116 : memref<1x64xf32, #tpu.memory_space<hbm>>) target(%dma_start3A_114 : memref<1x64xf32, #tpu.memory_space<vmem>>) target_semaphore(%arg9 : memref<!tpu.dma_semaphore, #tpu.memory_space<semaphore_mem>>)
      %slice3A_117 = vector.extract_strided_slice %get3A_59 {offsets = [5], sizes = [1], strides = [1]} : vector<16xi32> to vector<1xi32>
      %squeeze3A_118 = vector.extract %slice3A_117[0] : i32 from vector<1xi32>
      %add3A_119 = arith.constant 5 : i32
      %add3A_120 = arith.addi %add3A_58, %add3A_119 : i32
      %dma_start3A_121 = arith.constant 0 : i32
      %dma_start3A_122 = tpu.memref_slice %arg6[%add3A_120, %dma_start3A_121] : memref<512x64xf32, #tpu.memory_space<vmem>> -> memref<1x64xf32, #tpu.memory_space<vmem>>
      %dma_start3A_123 = arith.constant 0 : i32
      %dma_start3A_124 = tpu.memref_slice %arg2[%squeeze3A_118, %dma_start3A_123] : memref<100000x64xf32, #tpu.memory_space<hbm>> -> memref<1x64xf32, #tpu.memory_space<hbm>>
      %dma_start3A_125 = arith.constant 0 : i32
      %dma_start3A_126 = tpu.memref_slice %arg6[%add3A_120, %dma_start3A_125] : memref<512x64xf32, #tpu.memory_space<vmem>> -> memref<1x64xf32, #tpu.memory_space<vmem>>
      %dma_start3A_127 = arith.constant 0 : i32
      %dma_start3A_128 = tpu.memref_slice %arg2[%squeeze3A_118, %dma_start3A_127] : memref<100000x64xf32, #tpu.memory_space<hbm>> -> memref<1x64xf32, #tpu.memory_space<hbm>>
      tpu.enqueue_dma source(%dma_start3A_128 : memref<1x64xf32, #tpu.memory_space<hbm>>) target(%dma_start3A_126 : memref<1x64xf32, #tpu.memory_space<vmem>>) target_semaphore(%arg9 : memref<!tpu.dma_semaphore, #tpu.memory_space<semaphore_mem>>)
      %slice3A_129 = vector.extract_strided_slice %get3A_59 {offsets = [6], sizes = [1], strides = [1]} : vector<16xi32> to vector<1xi32>
      %squeeze3A_130 = vector.extract %slice3A_129[0] : i32 from vector<1xi32>
      %add3A_131 = arith.constant 6 : i32
      %add3A_132 = arith.addi %add3A_58, %add3A_131 : i32
      %dma_start3A_133 = arith.constant 0 : i32
      %dma_start3A_134 = tpu.memref_slice %arg6[%add3A_132, %dma_start3A_133] : memref<512x64xf32, #tpu.memory_space<vmem>> -> memref<1x64xf32, #tpu.memory_space<vmem>>
      %dma_start3A_135 = arith.constant 0 : i32
      %dma_start3A_136 = tpu.memref_slice %arg2[%squeeze3A_130, %dma_start3A_135] : memref<100000x64xf32, #tpu.memory_space<hbm>> -> memref<1x64xf32, #tpu.memory_space<hbm>>
      %dma_start3A_137 = arith.constant 0 : i32
      %dma_start3A_138 = tpu.memref_slice %arg6[%add3A_132, %dma_start3A_137] : memref<512x64xf32, #tpu.memory_space<vmem>> -> memref<1x64xf32, #tpu.memory_space<vmem>>
      %dma_start3A_139 = arith.constant 0 : i32
      %dma_start3A_140 = tpu.memref_slice %arg2[%squeeze3A_130, %dma_start3A_139] : memref<100000x64xf32, #tpu.memory_space<hbm>> -> memref<1x64xf32, #tpu.memory_space<hbm>>
      tpu.enqueue_dma source(%dma_start3A_140 : memref<1x64xf32, #tpu.memory_space<hbm>>) target(%dma_start3A_138 : memref<1x64xf32, #tpu.memory_space<vmem>>) target_semaphore(%arg9 : memref<!tpu.dma_semaphore, #tpu.memory_space<semaphore_mem>>)
      %slice3A_141 = vector.extract_strided_slice %get3A_59 {offsets = [7], sizes = [1], strides = [1]} : vector<16xi32> to vector<1xi32>
      %squeeze3A_142 = vector.extract %slice3A_141[0] : i32 from vector<1xi32>
      %add3A_143 = arith.constant 7 : i32
      %add3A_144 = arith.addi %add3A_58, %add3A_143 : i32
      %dma_start3A_145 = arith.constant 0 : i32
      %dma_start3A_146 = tpu.memref_slice %arg6[%add3A_144, %dma_start3A_145] : memref<512x64xf32, #tpu.memory_space<vmem>> -> memref<1x64xf32, #tpu.memory_space<vmem>>
      %dma_start3A_147 = arith.constant 0 : i32
      %dma_start3A_148 = tpu.memref_slice %arg2[%squeeze3A_142, %dma_start3A_147] : memref<100000x64xf32, #tpu.memory_space<hbm>> -> memref<1x64xf32, #tpu.memory_space<hbm>>
      %dma_start3A_149 = arith.constant 0 : i32
      %dma_start3A_150 = tpu.memref_slice %arg6[%add3A_144, %dma_start3A_149] : memref<512x64xf32, #tpu.memory_space<vmem>> -> memref<1x64xf32, #tpu.memory_space<vmem>>
      %dma_start3A_151 = arith.constant 0 : i32
      %dma_start3A_152 = tpu.memref_slice %arg2[%squeeze3A_142, %dma_start3A_151] : memref<100000x64xf32, #tpu.memory_space<hbm>> -> memref<1x64xf32, #tpu.memory_space<hbm>>
      tpu.enqueue_dma source(%dma_start3A_152 : memref<1x64xf32, #tpu.memory_space<hbm>>) target(%dma_start3A_150 : memref<1x64xf32, #tpu.memory_space<vmem>>) target_semaphore(%arg9 : memref<!tpu.dma_semaphore, #tpu.memory_space<semaphore_mem>>)
      %slice3A_153 = vector.extract_strided_slice %get3A_59 {offsets = [8], sizes = [1], strides = [1]} : vector<16xi32> to vector<1xi32>
      %squeeze3A_154 = vector.extract %slice3A_153[0] : i32 from vector<1xi32>
      %add3A_155 = arith.constant 8 : i32
      %add3A_156 = arith.addi %add3A_58, %add3A_155 : i32
      %dma_start3A_157 = arith.constant 0 : i32
      %dma_start3A_158 = tpu.memref_slice %arg6[%add3A_156, %dma_start3A_157] : memref<512x64xf32, #tpu.memory_space<vmem>> -> memref<1x64xf32, #tpu.memory_space<vmem>>
      %dma_start3A_159 = arith.constant 0 : i32
      %dma_start3A_160 = tpu.memref_slice %arg2[%squeeze3A_154, %dma_start3A_159] : memref<100000x64xf32, #tpu.memory_space<hbm>> -> memref<1x64xf32, #tpu.memory_space<hbm>>
      %dma_start3A_161 = arith.constant 0 : i32
      %dma_start3A_162 = tpu.memref_slice %arg6[%add3A_156, %dma_start3A_161] : memref<512x64xf32, #tpu.memory_space<vmem>> -> memref<1x64xf32, #tpu.memory_space<vmem>>
      %dma_start3A_163 = arith.constant 0 : i32
      %dma_start3A_164 = tpu.memref_slice %arg2[%squeeze3A_154, %dma_start3A_163] : memref<100000x64xf32, #tpu.memory_space<hbm>> -> memref<1x64xf32, #tpu.memory_space<hbm>>
      tpu.enqueue_dma source(%dma_start3A_164 : memref<1x64xf32, #tpu.memory_space<hbm>>) target(%dma_start3A_162 : memref<1x64xf32, #tpu.memory_space<vmem>>) target_semaphore(%arg9 : memref<!tpu.dma_semaphore, #tpu.memory_space<semaphore_mem>>)
      %slice3A_165 = vector.extract_strided_slice %get3A_59 {offsets = [9], sizes = [1], strides = [1]} : vector<16xi32> to vector<1xi32>
      %squeeze3A_166 = vector.extract %slice3A_165[0] : i32 from vector<1xi32>
      %add3A_167 = arith.constant 9 : i32
      %add3A_168 = arith.addi %add3A_58, %add3A_167 : i32
      %dma_start3A_169 = arith.constant 0 : i32
      %dma_start3A_170 = tpu.memref_slice %arg6[%add3A_168, %dma_start3A_169] : memref<512x64xf32, #tpu.memory_space<vmem>> -> memref<1x64xf32, #tpu.memory_space<vmem>>
      %dma_start3A_171 = arith.constant 0 : i32
      %dma_start3A_172 = tpu.memref_slice %arg2[%squeeze3A_166, %dma_start3A_171] : memref<100000x64xf32, #tpu.memory_space<hbm>> -> memref<1x64xf32, #tpu.memory_space<hbm>>
      %dma_start3A_173 = arith.constant 0 : i32
      %dma_start3A_174 = tpu.memref_slice %arg6[%add3A_168, %dma_start3A_173] : memref<512x64xf32, #tpu.memory_space<vmem>> -> memref<1x64xf32, #tpu.memory_space<vmem>>
      %dma_start3A_175 = arith.constant 0 : i32
      %dma_start3A_176 = tpu.memref_slice %arg2[%squeeze3A_166, %dma_start3A_175] : memref<100000x64xf32, #tpu.memory_space<hbm>> -> memref<1x64xf32, #tpu.memory_space<hbm>>
      tpu.enqueue_dma source(%dma_start3A_176 : memref<1x64xf32, #tpu.memory_space<hbm>>) target(%dma_start3A_174 : memref<1x64xf32, #tpu.memory_space<vmem>>) target_semaphore(%arg9 : memref<!tpu.dma_semaphore, #tpu.memory_space<semaphore_mem>>)
      %slice3A_177 = vector.extract_strided_slice %get3A_59 {offsets = [10], sizes = [1], strides = [1]} : vector<16xi32> to vector<1xi32>
      %squeeze3A_178 = vector.extract %slice3A_177[0] : i32 from vector<1xi32>
      %add3A_179 = arith.constant 10 : i32
      %add3A_180 = arith.addi %add3A_58, %add3A_179 : i32
      %dma_start3A_181 = arith.constant 0 : i32
      %dma_start3A_182 = tpu.memref_slice %arg6[%add3A_180, %dma_start3A_181] : memref<512x64xf32, #tpu.memory_space<vmem>> -> memref<1x64xf32, #tpu.memory_space<vmem>>
      %dma_start3A_183 = arith.constant 0 : i32
      %dma_start3A_184 = tpu.memref_slice %arg2[%squeeze3A_178, %dma_start3A_183] : memref<100000x64xf32, #tpu.memory_space<hbm>> -> memref<1x64xf32, #tpu.memory_space<hbm>>
      %dma_start3A_185 = arith.constant 0 : i32
      %dma_start3A_186 = tpu.memref_slice %arg6[%add3A_180, %dma_start3A_185] : memref<512x64xf32, #tpu.memory_space<vmem>> -> memref<1x64xf32, #tpu.memory_space<vmem>>
      %dma_start3A_187 = arith.constant 0 : i32
      %dma_start3A_188 = tpu.memref_slice %arg2[%squeeze3A_178, %dma_start3A_187] : memref<100000x64xf32, #tpu.memory_space<hbm>> -> memref<1x64xf32, #tpu.memory_space<hbm>>
      tpu.enqueue_dma source(%dma_start3A_188 : memref<1x64xf32, #tpu.memory_space<hbm>>) target(%dma_start3A_186 : memref<1x64xf32, #tpu.memory_space<vmem>>) target_semaphore(%arg9 : memref<!tpu.dma_semaphore, #tpu.memory_space<semaphore_mem>>)
      %slice3A_189 = vector.extract_strided_slice %get3A_59 {offsets = [11], sizes = [1], strides = [1]} : vector<16xi32> to vector<1xi32>
      %squeeze3A_190 = vector.extract %slice3A_189[0] : i32 from vector<1xi32>
      %add3A_191 = arith.constant 11 : i32
      %add3A_192 = arith.addi %add3A_58, %add3A_191 : i32
      %dma_start3A_193 = arith.constant 0 : i32
      %dma_start3A_194 = tpu.memref_slice %arg6[%add3A_192, %dma_start3A_193] : memref<512x64xf32, #tpu.memory_space<vmem>> -> memref<1x64xf32, #tpu.memory_space<vmem>>
      %dma_start3A_195 = arith.constant 0 : i32
      %dma_start3A_196 = tpu.memref_slice %arg2[%squeeze3A_190, %dma_start3A_195] : memref<100000x64xf32, #tpu.memory_space<hbm>> -> memref<1x64xf32, #tpu.memory_space<hbm>>
      %dma_start3A_197 = arith.constant 0 : i32
      %dma_start3A_198 = tpu.memref_slice %arg6[%add3A_192, %dma_start3A_197] : memref<512x64xf32, #tpu.memory_space<vmem>> -> memref<1x64xf32, #tpu.memory_space<vmem>>
      %dma_start3A_199 = arith.constant 0 : i32
      %dma_start3A_200 = tpu.memref_slice %arg2[%squeeze3A_190, %dma_start3A_199] : memref<100000x64xf32, #tpu.memory_space<hbm>> -> memref<1x64xf32, #tpu.memory_space<hbm>>
      tpu.enqueue_dma source(%dma_start3A_200 : memref<1x64xf32, #tpu.memory_space<hbm>>) target(%dma_start3A_198 : memref<1x64xf32, #tpu.memory_space<vmem>>) target_semaphore(%arg9 : memref<!tpu.dma_semaphore, #tpu.memory_space<semaphore_mem>>)
      %slice3A_201 = vector.extract_strided_slice %get3A_59 {offsets = [12], sizes = [1], strides = [1]} : vector<16xi32> to vector<1xi32>
      %squeeze3A_202 = vector.extract %slice3A_201[0] : i32 from vector<1xi32>
      %add3A_203 = arith.constant 12 : i32
      %add3A_204 = arith.addi %add3A_58, %add3A_203 : i32
      %dma_start3A_205 = arith.constant 0 : i32
      %dma_start3A_206 = tpu.memref_slice %arg6[%add3A_204, %dma_start3A_205] : memref<512x64xf32, #tpu.memory_space<vmem>> -> memref<1x64xf32, #tpu.memory_space<vmem>>
      %dma_start3A_207 = arith.constant 0 : i32
      %dma_start3A_208 = tpu.memref_slice %arg2[%squeeze3A_202, %dma_start3A_207] : memref<100000x64xf32, #tpu.memory_space<hbm>> -> memref<1x64xf32, #tpu.memory_space<hbm>>
      %dma_start3A_209 = arith.constant 0 : i32
      %dma_start3A_210 = tpu.memref_slice %arg6[%add3A_204, %dma_start3A_209] : memref<512x64xf32, #tpu.memory_space<vmem>> -> memref<1x64xf32, #tpu.memory_space<vmem>>
      %dma_start3A_211 = arith.constant 0 : i32
      %dma_start3A_212 = tpu.memref_slice %arg2[%squeeze3A_202, %dma_start3A_211] : memref<100000x64xf32, #tpu.memory_space<hbm>> -> memref<1x64xf32, #tpu.memory_space<hbm>>
      tpu.enqueue_dma source(%dma_start3A_212 : memref<1x64xf32, #tpu.memory_space<hbm>>) target(%dma_start3A_210 : memref<1x64xf32, #tpu.memory_space<vmem>>) target_semaphore(%arg9 : memref<!tpu.dma_semaphore, #tpu.memory_space<semaphore_mem>>)
      %slice3A_213 = vector.extract_strided_slice %get3A_59 {offsets = [13], sizes = [1], strides = [1]} : vector<16xi32> to vector<1xi32>
      %squeeze3A_214 = vector.extract %slice3A_213[0] : i32 from vector<1xi32>
      %add3A_215 = arith.constant 13 : i32
      %add3A_216 = arith.addi %add3A_58, %add3A_215 : i32
      %dma_start3A_217 = arith.constant 0 : i32
      %dma_start3A_218 = tpu.memref_slice %arg6[%add3A_216, %dma_start3A_217] : memref<512x64xf32, #tpu.memory_space<vmem>> -> memref<1x64xf32, #tpu.memory_space<vmem>>
      %dma_start3A_219 = arith.constant 0 : i32
      %dma_start3A_220 = tpu.memref_slice %arg2[%squeeze3A_214, %dma_start3A_219] : memref<100000x64xf32, #tpu.memory_space<hbm>> -> memref<1x64xf32, #tpu.memory_space<hbm>>
      %dma_start3A_221 = arith.constant 0 : i32
      %dma_start3A_222 = tpu.memref_slice %arg6[%add3A_216, %dma_start3A_221] : memref<512x64xf32, #tpu.memory_space<vmem>> -> memref<1x64xf32, #tpu.memory_space<vmem>>
      %dma_start3A_223 = arith.constant 0 : i32
      %dma_start3A_224 = tpu.memref_slice %arg2[%squeeze3A_214, %dma_start3A_223] : memref<100000x64xf32, #tpu.memory_space<hbm>> -> memref<1x64xf32, #tpu.memory_space<hbm>>
      tpu.enqueue_dma source(%dma_start3A_224 : memref<1x64xf32, #tpu.memory_space<hbm>>) target(%dma_start3A_222 : memref<1x64xf32, #tpu.memory_space<vmem>>) target_semaphore(%arg9 : memref<!tpu.dma_semaphore, #tpu.memory_space<semaphore_mem>>)
      %slice3A_225 = vector.extract_strided_slice %get3A_59 {offsets = [14], sizes = [1], strides = [1]} : vector<16xi32> to vector<1xi32>
      %squeeze3A_226 = vector.extract %slice3A_225[0] : i32 from vector<1xi32>
      %add3A_227 = arith.constant 14 : i32
      %add3A_228 = arith.addi %add3A_58, %add3A_227 : i32
      %dma_start3A_229 = arith.constant 0 : i32
      %dma_start3A_230 = tpu.memref_slice %arg6[%add3A_228, %dma_start3A_229] : memref<512x64xf32, #tpu.memory_space<vmem>> -> memref<1x64xf32, #tpu.memory_space<vmem>>
      %dma_start3A_231 = arith.constant 0 : i32
      %dma_start3A_232 = tpu.memref_slice %arg2[%squeeze3A_226, %dma_start3A_231] : memref<100000x64xf32, #tpu.memory_space<hbm>> -> memref<1x64xf32, #tpu.memory_space<hbm>>
      %dma_start3A_233 = arith.constant 0 : i32
      %dma_start3A_234 = tpu.memref_slice %arg6[%add3A_228, %dma_start3A_233] : memref<512x64xf32, #tpu.memory_space<vmem>> -> memref<1x64xf32, #tpu.memory_space<vmem>>
      %dma_start3A_235 = arith.constant 0 : i32
      %dma_start3A_236 = tpu.memref_slice %arg2[%squeeze3A_226, %dma_start3A_235] : memref<100000x64xf32, #tpu.memory_space<hbm>> -> memref<1x64xf32, #tpu.memory_space<hbm>>
      tpu.enqueue_dma source(%dma_start3A_236 : memref<1x64xf32, #tpu.memory_space<hbm>>) target(%dma_start3A_234 : memref<1x64xf32, #tpu.memory_space<vmem>>) target_semaphore(%arg9 : memref<!tpu.dma_semaphore, #tpu.memory_space<semaphore_mem>>)
      %slice3A_237 = vector.extract_strided_slice %get3A_59 {offsets = [15], sizes = [1], strides = [1]} : vector<16xi32> to vector<1xi32>
      %squeeze3A_238 = vector.extract %slice3A_237[0] : i32 from vector<1xi32>
      %add3A_239 = arith.constant 15 : i32
      %add3A_240 = arith.addi %add3A_58, %add3A_239 : i32
      %dma_start3A_241 = arith.constant 0 : i32
      %dma_start3A_242 = tpu.memref_slice %arg6[%add3A_240, %dma_start3A_241] : memref<512x64xf32, #tpu.memory_space<vmem>> -> memref<1x64xf32, #tpu.memory_space<vmem>>
      %dma_start3A_243 = arith.constant 0 : i32
      %dma_start3A_244 = tpu.memref_slice %arg2[%squeeze3A_238, %dma_start3A_243] : memref<100000x64xf32, #tpu.memory_space<hbm>> -> memref<1x64xf32, #tpu.memory_space<hbm>>
      %dma_start3A_245 = arith.constant 0 : i32
      %dma_start3A_246 = tpu.memref_slice %arg6[%add3A_240, %dma_start3A_245] : memref<512x64xf32, #tpu.memory_space<vmem>> -> memref<1x64xf32, #tpu.memory_space<vmem>>
      %dma_start3A_247 = arith.constant 0 : i32
      %dma_start3A_248 = tpu.memref_slice %arg2[%squeeze3A_238, %dma_start3A_247] : memref<100000x64xf32, #tpu.memory_space<hbm>> -> memref<1x64xf32, #tpu.memory_space<hbm>>
      tpu.enqueue_dma source(%dma_start3A_248 : memref<1x64xf32, #tpu.memory_space<hbm>>) target(%dma_start3A_246 : memref<1x64xf32, #tpu.memory_space<vmem>>) target_semaphore(%arg9 : memref<!tpu.dma_semaphore, #tpu.memory_space<semaphore_mem>>)
      %scan3A_249 = arith.constant 0 : i32
      scf.yield %scan3A_249 : i32
    }
    %scan3A_15 = arith.constant 16 : i32
    %dma_wait3A = arith.constant 0 : i32
    %dma_wait3A_16 = arith.constant 0 : i32
    %dma_wait3A_17 = tpu.memref_slice %arg6[%dma_wait3A, %dma_wait3A_16] : memref<512x64xf32, #tpu.memory_space<vmem>> -> memref<256x64xf32, #tpu.memory_space<vmem>>
    %dma_wait3A_18 = arith.constant 0 : i32
    %dma_wait3A_19 = arith.constant 0 : i32
    %dma_wait3A_20 = tpu.memref_slice %arg2[%dma_wait3A_18, %dma_wait3A_19] : memref<100000x64xf32, #tpu.memory_space<hbm>> -> memref<256x64xf32, #tpu.memory_space<hbm>>
    %dma_wait3A_21 = arith.constant 0 : i32
    %dma_wait3A_22 = arith.constant 0 : i32
    %dma_wait3A_23 = tpu.memref_slice %arg6[%dma_wait3A_21, %dma_wait3A_22] : memref<512x64xf32, #tpu.memory_space<vmem>> -> memref<256x64xf32, #tpu.memory_space<vmem>>
    %dma_wait3A_24 = arith.constant 0 : i32
    %dma_wait3A_25 = arith.constant 0 : i32
    %dma_wait3A_26 = tpu.memref_slice %arg2[%dma_wait3A_24, %dma_wait3A_25] : memref<100000x64xf32, #tpu.memory_space<hbm>> -> memref<256x64xf32, #tpu.memory_space<hbm>>
    tpu.wait_dma2 semaphore(%arg8 : memref<!tpu.dma_semaphore, #tpu.memory_space<semaphore_mem>>) src(%dma_wait3A_26 : memref<256x64xf32, #tpu.memory_space<hbm>>) dst(%dma_wait3A_23 : memref<256x64xf32, #tpu.memory_space<vmem>>)
    %scan3A_27 = arith.constant 0 : i32
    %scan3A_28 = arith.constant 0 : i32
    %scan3A_29 = arith.constant 64 : i32
    %scan3A_30 = arith.addi %scan3A_28, %scan3A_29 : i32
    %scan3A_31 = arith.constant 1 : i32
    %scan3A_32 = scf.for %scan3A_53 = %scan3A_28 to %scan3A_30 step %scan3A_31 iter_args(%scan3A_54 = %scan3A_27) -> (i32)  : i32 {
      %broadcast_in_dim3A = vector.broadcast %scan3A_53 : i32 to vector<16xi32>
      %add3A_55 = arith.constant 0 : i32
      %add3A_56 = vector.broadcast %add3A_55 : i32 to vector<16xi32>
      %add3A_57 = arith.addi %iota3A, %add3A_56 : vector<16xi32>
      %gather3A = tpu.vector_load_idx %arg6[%add3A_57, %broadcast_in_dim3A] : memref<512x64xf32, #tpu.memory_space<vmem>>[vector<16xi32>, vector<16xi32>], vector<16xf32>,
      %swap3A = arith.index_cast %scan3A_53 : i32 to index
      %swap3A_58 = arith.constant 0 : index
      %swap3A_59 = tpu.vector_load %arg7[%swap3A, %swap3A_58] {strides = array<i32>} : memref<64x512xf32, #tpu.memory_space<vmem>>, vector<16xf32>,
      tpu.vector_store %arg7[%swap3A, %swap3A_58], %gather3A {strides = array<i32>} : memref<64x512xf32, #tpu.memory_space<vmem>>, vector<16xf32>,
      %add3A_60 = arith.constant 16 : i32
      %add3A_61 = vector.broadcast %add3A_60 : i32 to vector<16xi32>
      %add3A_62 = arith.addi %iota3A, %add3A_61 : vector<16xi32>
      %gather3A_63 = tpu.vector_load_idx %arg6[%add3A_62, %broadcast_in_dim3A] : memref<512x64xf32, #tpu.memory_space<vmem>>[vector<16xi32>, vector<16xi32>], vector<16xf32>,
      %swap3A_64 = arith.index_cast %scan3A_53 : i32 to index
      %swap3A_65 = arith.constant 16 : index
      %swap3A_66 = tpu.vector_load %arg7[%swap3A_64, %swap3A_65] {strides = array<i32>} : memref<64x512xf32, #tpu.memory_space<vmem>>, vector<16xf32>,
      tpu.vector_store %arg7[%swap3A_64, %swap3A_65], %gather3A_63 {strides = array<i32>} : memref<64x512xf32, #tpu.memory_space<vmem>>, vector<16xf32>,
      %add3A_67 = arith.constant 32 : i32
      %add3A_68 = vector.broadcast %add3A_67 : i32 to vector<16xi32>
      %add3A_69 = arith.addi %iota3A, %add3A_68 : vector<16xi32>
      %gather3A_70 = tpu.vector_load_idx %arg6[%add3A_69, %broadcast_in_dim3A] : memref<512x64xf32, #tpu.memory_space<vmem>>[vector<16xi32>, vector<16xi32>], vector<16xf32>,
      %swap3A_71 = arith.index_cast %scan3A_53 : i32 to index
      %swap3A_72 = arith.constant 32 : index
      %swap3A_73 = tpu.vector_load %arg7[%swap3A_71, %swap3A_72] {strides = array<i32>} : memref<64x512xf32, #tpu.memory_space<vmem>>, vector<16xf32>,
      tpu.vector_store %arg7[%swap3A_71, %swap3A_72], %gather3A_70 {strides = array<i32>} : memref<64x512xf32, #tpu.memory_space<vmem>>, vector<16xf32>,
      %add3A_74 = arith.constant 48 : i32
      %add3A_75 = vector.broadcast %add3A_74 : i32 to vector<16xi32>
      %add3A_76 = arith.addi %iota3A, %add3A_75 : vector<16xi32>
      %gather3A_77 = tpu.vector_load_idx %arg6[%add3A_76, %broadcast_in_dim3A] : memref<512x64xf32, #tpu.memory_space<vmem>>[vector<16xi32>, vector<16xi32>], vector<16xf32>,
      %swap3A_78 = arith.index_cast %scan3A_53 : i32 to index
      %swap3A_79 = arith.constant 48 : index
      %swap3A_80 = tpu.vector_load %arg7[%swap3A_78, %swap3A_79] {strides = array<i32>} : memref<64x512xf32, #tpu.memory_space<vmem>>, vector<16xf32>,
      tpu.vector_store %arg7[%swap3A_78, %swap3A_79], %gather3A_77 {strides = array<i32>} : memref<64x512xf32, #tpu.memory_space<vmem>>, vector<16xf32>,
      %add3A_81 = arith.constant 64 : i32
      %add3A_82 = vector.broadcast %add3A_81 : i32 to vector<16xi32>
      %add3A_83 = arith.addi %iota3A, %add3A_82 : vector<16xi32>
      %gather3A_84 = tpu.vector_load_idx %arg6[%add3A_83, %broadcast_in_dim3A] : memref<512x64xf32, #tpu.memory_space<vmem>>[vector<16xi32>, vector<16xi32>], vector<16xf32>,
      %swap3A_85 = arith.index_cast %scan3A_53 : i32 to index
      %swap3A_86 = arith.constant 64 : index
      %swap3A_87 = tpu.vector_load %arg7[%swap3A_85, %swap3A_86] {strides = array<i32>} : memref<64x512xf32, #tpu.memory_space<vmem>>, vector<16xf32>,
      tpu.vector_store %arg7[%swap3A_85, %swap3A_86], %gather3A_84 {strides = array<i32>} : memref<64x512xf32, #tpu.memory_space<vmem>>, vector<16xf32>,
      %add3A_88 = arith.constant 80 : i32
      %add3A_89 = vector.broadcast %add3A_88 : i32 to vector<16xi32>
      %add3A_90 = arith.addi %iota3A, %add3A_89 : vector<16xi32>
      %gather3A_91 = tpu.vector_load_idx %arg6[%add3A_90, %broadcast_in_dim3A] : memref<512x64xf32, #tpu.memory_space<vmem>>[vector<16xi32>, vector<16xi32>], vector<16xf32>,
      %swap3A_92 = arith.index_cast %scan3A_53 : i32 to index
      %swap3A_93 = arith.constant 80 : index
      %swap3A_94 = tpu.vector_load %arg7[%swap3A_92, %swap3A_93] {strides = array<i32>} : memref<64x512xf32, #tpu.memory_space<vmem>>, vector<16xf32>,
      tpu.vector_store %arg7[%swap3A_92, %swap3A_93], %gather3A_91 {strides = array<i32>} : memref<64x512xf32, #tpu.memory_space<vmem>>, vector<16xf32>,
      %add3A_95 = arith.constant 96 : i32
      %add3A_96 = vector.broadcast %add3A_95 : i32 to vector<16xi32>
      %add3A_97 = arith.addi %iota3A, %add3A_96 : vector<16xi32>
      %gather3A_98 = tpu.vector_load_idx %arg6[%add3A_97, %broadcast_in_dim3A] : memref<512x64xf32, #tpu.memory_space<vmem>>[vector<16xi32>, vector<16xi32>], vector<16xf32>,
      %swap3A_99 = arith.index_cast %scan3A_53 : i32 to index
      %swap3A_100 = arith.constant 96 : index
      %swap3A_101 = tpu.vector_load %arg7[%swap3A_99, %swap3A_100] {strides = array<i32>} : memref<64x512xf32, #tpu.memory_space<vmem>>, vector<16xf32>,
      tpu.vector_store %arg7[%swap3A_99, %swap3A_100], %gather3A_98 {strides = array<i32>} : memref<64x512xf32, #tpu.memory_space<vmem>>, vector<16xf32>,
      %add3A_102 = arith.constant 112 : i32
      %add3A_103 = vector.broadcast %add3A_102 : i32 to vector<16xi32>
      %add3A_104 = arith.addi %iota3A, %add3A_103 : vector<16xi32>
      %gather3A_105 = tpu.vector_load_idx %arg6[%add3A_104, %broadcast_in_dim3A] : memref<512x64xf32, #tpu.memory_space<vmem>>[vector<16xi32>, vector<16xi32>], vector<16xf32>,
      %swap3A_106 = arith.index_cast %scan3A_53 : i32 to index
      %swap3A_107 = arith.constant 112 : index
      %swap3A_108 = tpu.vector_load %arg7[%swap3A_106, %swap3A_107] {strides = array<i32>} : memref<64x512xf32, #tpu.memory_space<vmem>>, vector<16xf32>,
      tpu.vector_store %arg7[%swap3A_106, %swap3A_107], %gather3A_105 {strides = array<i32>} : memref<64x512xf32, #tpu.memory_space<vmem>>, vector<16xf32>,
      %add3A_109 = arith.constant 128 : i32
      %add3A_110 = vector.broadcast %add3A_109 : i32 to vector<16xi32>
      %add3A_111 = arith.addi %iota3A, %add3A_110 : vector<16xi32>
      %gather3A_112 = tpu.vector_load_idx %arg6[%add3A_111, %broadcast_in_dim3A] : memref<512x64xf32, #tpu.memory_space<vmem>>[vector<16xi32>, vector<16xi32>], vector<16xf32>,
      %swap3A_113 = arith.index_cast %scan3A_53 : i32 to index
      %swap3A_114 = arith.constant 128 : index
      %swap3A_115 = tpu.vector_load %arg7[%swap3A_113, %swap3A_114] {strides = array<i32>} : memref<64x512xf32, #tpu.memory_space<vmem>>, vector<16xf32>,
      tpu.vector_store %arg7[%swap3A_113, %swap3A_114], %gather3A_112 {strides = array<i32>} : memref<64x512xf32, #tpu.memory_space<vmem>>, vector<16xf32>,
      %add3A_116 = arith.constant 144 : i32
      %add3A_117 = vector.broadcast %add3A_116 : i32 to vector<16xi32>
      %add3A_118 = arith.addi %iota3A, %add3A_117 : vector<16xi32>
      %gather3A_119 = tpu.vector_load_idx %arg6[%add3A_118, %broadcast_in_dim3A] : memref<512x64xf32, #tpu.memory_space<vmem>>[vector<16xi32>, vector<16xi32>], vector<16xf32>,
      %swap3A_120 = arith.index_cast %scan3A_53 : i32 to index
      %swap3A_121 = arith.constant 144 : index
      %swap3A_122 = tpu.vector_load %arg7[%swap3A_120, %swap3A_121] {strides = array<i32>} : memref<64x512xf32, #tpu.memory_space<vmem>>, vector<16xf32>,
      tpu.vector_store %arg7[%swap3A_120, %swap3A_121], %gather3A_119 {strides = array<i32>} : memref<64x512xf32, #tpu.memory_space<vmem>>, vector<16xf32>,
      %add3A_123 = arith.constant 160 : i32
      %add3A_124 = vector.broadcast %add3A_123 : i32 to vector<16xi32>
      %add3A_125 = arith.addi %iota3A, %add3A_124 : vector<16xi32>
      %gather3A_126 = tpu.vector_load_idx %arg6[%add3A_125, %broadcast_in_dim3A] : memref<512x64xf32, #tpu.memory_space<vmem>>[vector<16xi32>, vector<16xi32>], vector<16xf32>,
      %swap3A_127 = arith.index_cast %scan3A_53 : i32 to index
      %swap3A_128 = arith.constant 160 : index
      %swap3A_129 = tpu.vector_load %arg7[%swap3A_127, %swap3A_128] {strides = array<i32>} : memref<64x512xf32, #tpu.memory_space<vmem>>, vector<16xf32>,
      tpu.vector_store %arg7[%swap3A_127, %swap3A_128], %gather3A_126 {strides = array<i32>} : memref<64x512xf32, #tpu.memory_space<vmem>>, vector<16xf32>,
      %add3A_130 = arith.constant 176 : i32
      %add3A_131 = vector.broadcast %add3A_130 : i32 to vector<16xi32>
      %add3A_132 = arith.addi %iota3A, %add3A_131 : vector<16xi32>
      %gather3A_133 = tpu.vector_load_idx %arg6[%add3A_132, %broadcast_in_dim3A] : memref<512x64xf32, #tpu.memory_space<vmem>>[vector<16xi32>, vector<16xi32>], vector<16xf32>,
      %swap3A_134 = arith.index_cast %scan3A_53 : i32 to index
      %swap3A_135 = arith.constant 176 : index
      %swap3A_136 = tpu.vector_load %arg7[%swap3A_134, %swap3A_135] {strides = array<i32>} : memref<64x512xf32, #tpu.memory_space<vmem>>, vector<16xf32>,
      tpu.vector_store %arg7[%swap3A_134, %swap3A_135], %gather3A_133 {strides = array<i32>} : memref<64x512xf32, #tpu.memory_space<vmem>>, vector<16xf32>,
      %add3A_137 = arith.constant 192 : i32
      %add3A_138 = vector.broadcast %add3A_137 : i32 to vector<16xi32>
      %add3A_139 = arith.addi %iota3A, %add3A_138 : vector<16xi32>
      %gather3A_140 = tpu.vector_load_idx %arg6[%add3A_139, %broadcast_in_dim3A] : memref<512x64xf32, #tpu.memory_space<vmem>>[vector<16xi32>, vector<16xi32>], vector<16xf32>,
      %swap3A_141 = arith.index_cast %scan3A_53 : i32 to index
      %swap3A_142 = arith.constant 192 : index
      %swap3A_143 = tpu.vector_load %arg7[%swap3A_141, %swap3A_142] {strides = array<i32>} : memref<64x512xf32, #tpu.memory_space<vmem>>, vector<16xf32>,
      tpu.vector_store %arg7[%swap3A_141, %swap3A_142], %gather3A_140 {strides = array<i32>} : memref<64x512xf32, #tpu.memory_space<vmem>>, vector<16xf32>,
      %add3A_144 = arith.constant 208 : i32
      %add3A_145 = vector.broadcast %add3A_144 : i32 to vector<16xi32>
      %add3A_146 = arith.addi %iota3A, %add3A_145 : vector<16xi32>
      %gather3A_147 = tpu.vector_load_idx %arg6[%add3A_146, %broadcast_in_dim3A] : memref<512x64xf32, #tpu.memory_space<vmem>>[vector<16xi32>, vector<16xi32>], vector<16xf32>,
      %swap3A_148 = arith.index_cast %scan3A_53 : i32 to index
      %swap3A_149 = arith.constant 208 : index
      %swap3A_150 = tpu.vector_load %arg7[%swap3A_148, %swap3A_149] {strides = array<i32>} : memref<64x512xf32, #tpu.memory_space<vmem>>, vector<16xf32>,
      tpu.vector_store %arg7[%swap3A_148, %swap3A_149], %gather3A_147 {strides = array<i32>} : memref<64x512xf32, #tpu.memory_space<vmem>>, vector<16xf32>,
      %add3A_151 = arith.constant 224 : i32
      %add3A_152 = vector.broadcast %add3A_151 : i32 to vector<16xi32>
      %add3A_153 = arith.addi %iota3A, %add3A_152 : vector<16xi32>
      %gather3A_154 = tpu.vector_load_idx %arg6[%add3A_153, %broadcast_in_dim3A] : memref<512x64xf32, #tpu.memory_space<vmem>>[vector<16xi32>, vector<16xi32>], vector<16xf32>,
      %swap3A_155 = arith.index_cast %scan3A_53 : i32 to index
      %swap3A_156 = arith.constant 224 : index
      %swap3A_157 = tpu.vector_load %arg7[%swap3A_155, %swap3A_156] {strides = array<i32>} : memref<64x512xf32, #tpu.memory_space<vmem>>, vector<16xf32>,
      tpu.vector_store %arg7[%swap3A_155, %swap3A_156], %gather3A_154 {strides = array<i32>} : memref<64x512xf32, #tpu.memory_space<vmem>>, vector<16xf32>,
      %add3A_158 = arith.constant 240 : i32
      %add3A_159 = vector.broadcast %add3A_158 : i32 to vector<16xi32>
      %add3A_160 = arith.addi %iota3A, %add3A_159 : vector<16xi32>
      %gather3A_161 = tpu.vector_load_idx %arg6[%add3A_160, %broadcast_in_dim3A] : memref<512x64xf32, #tpu.memory_space<vmem>>[vector<16xi32>, vector<16xi32>], vector<16xf32>,
      %swap3A_162 = arith.index_cast %scan3A_53 : i32 to index
      %swap3A_163 = arith.constant 240 : index
      %swap3A_164 = tpu.vector_load %arg7[%swap3A_162, %swap3A_163] {strides = array<i32>} : memref<64x512xf32, #tpu.memory_space<vmem>>, vector<16xf32>,
      tpu.vector_store %arg7[%swap3A_162, %swap3A_163], %gather3A_161 {strides = array<i32>} : memref<64x512xf32, #tpu.memory_space<vmem>>, vector<16xf32>,
      %scan3A_165 = arith.constant 0 : i32
      scf.yield %scan3A_165 : i32
    }
    %scan3A_33 = arith.constant 64 : i32
    %dma_wait3A_34 = arith.constant 256 : i32
    %dma_wait3A_35 = arith.constant 0 : i32
    %dma_wait3A_36 = tpu.memref_slice %arg6[%dma_wait3A_34, %dma_wait3A_35] : memref<512x64xf32, #tpu.memory_space<vmem>> -> memref<256x64xf32, #tpu.memory_space<vmem>>
    %dma_wait3A_37 = arith.constant 0 : i32
    %dma_wait3A_38 = arith.constant 0 : i32
    %dma_wait3A_39 = tpu.memref_slice %arg2[%dma_wait3A_37, %dma_wait3A_38] : memref<100000x64xf32, #tpu.memory_space<hbm>> -> memref<256x64xf32, #tpu.memory_space<hbm>>
    %dma_wait3A_40 = arith.constant 256 : i32
    %dma_wait3A_41 = arith.constant 0 : i32
    %dma_wait3A_42 = tpu.memref_slice %arg6[%dma_wait3A_40, %dma_wait3A_41] : memref<512x64xf32, #tpu.memory_space<vmem>> -> memref<256x64xf32, #tpu.memory_space<vmem>>
    %dma_wait3A_43 = arith.constant 0 : i32
    %dma_wait3A_44 = arith.constant 0 : i32
    %dma_wait3A_45 = tpu.memref_slice %arg2[%dma_wait3A_43, %dma_wait3A_44] : memref<100000x64xf32, #tpu.memory_space<hbm>> -> memref<256x64xf32, #tpu.memory_space<hbm>>
    tpu.wait_dma2 semaphore(%arg9 : memref<!tpu.dma_semaphore, #tpu.memory_space<semaphore_mem>>) src(%dma_wait3A_45 : memref<256x64xf32, #tpu.memory_space<hbm>>) dst(%dma_wait3A_42 : memref<256x64xf32, #tpu.memory_space<vmem>>)
    %scan3A_46 = arith.constant 0 : i32
    %scan3A_47 = arith.constant 0 : i32
    %scan3A_48 = arith.constant 64 : i32
    %scan3A_49 = arith.addi %scan3A_47, %scan3A_48 : i32
    %scan3A_50 = arith.constant 1 : i32
    %scan3A_51 = scf.for %scan3A_53 = %scan3A_47 to %scan3A_49 step %scan3A_50 iter_args(%scan3A_54 = %scan3A_46) -> (i32)  : i32 {
      %broadcast_in_dim3A = vector.broadcast %scan3A_53 : i32 to vector<16xi32>
      %add3A_55 = arith.constant 256 : i32
      %add3A_56 = vector.broadcast %add3A_55 : i32 to vector<16xi32>
      %add3A_57 = arith.addi %iota3A, %add3A_56 : vector<16xi32>
      %gather3A = tpu.vector_load_idx %arg6[%add3A_57, %broadcast_in_dim3A] : memref<512x64xf32, #tpu.memory_space<vmem>>[vector<16xi32>, vector<16xi32>], vector<16xf32>,
      %swap3A = arith.index_cast %scan3A_53 : i32 to index
      %swap3A_58 = arith.constant 256 : index
      %swap3A_59 = tpu.vector_load %arg7[%swap3A, %swap3A_58] {strides = array<i32>} : memref<64x512xf32, #tpu.memory_space<vmem>>, vector<16xf32>,
      tpu.vector_store %arg7[%swap3A, %swap3A_58], %gather3A {strides = array<i32>} : memref<64x512xf32, #tpu.memory_space<vmem>>, vector<16xf32>,
      %add3A_60 = arith.constant 272 : i32
      %add3A_61 = vector.broadcast %add3A_60 : i32 to vector<16xi32>
      %add3A_62 = arith.addi %iota3A, %add3A_61 : vector<16xi32>
      %gather3A_63 = tpu.vector_load_idx %arg6[%add3A_62, %broadcast_in_dim3A] : memref<512x64xf32, #tpu.memory_space<vmem>>[vector<16xi32>, vector<16xi32>], vector<16xf32>,
      %swap3A_64 = arith.index_cast %scan3A_53 : i32 to index
      %swap3A_65 = arith.constant 272 : index
      %swap3A_66 = tpu.vector_load %arg7[%swap3A_64, %swap3A_65] {strides = array<i32>} : memref<64x512xf32, #tpu.memory_space<vmem>>, vector<16xf32>,
      tpu.vector_store %arg7[%swap3A_64, %swap3A_65], %gather3A_63 {strides = array<i32>} : memref<64x512xf32, #tpu.memory_space<vmem>>, vector<16xf32>,
      %add3A_67 = arith.constant 288 : i32
      %add3A_68 = vector.broadcast %add3A_67 : i32 to vector<16xi32>
      %add3A_69 = arith.addi %iota3A, %add3A_68 : vector<16xi32>
      %gather3A_70 = tpu.vector_load_idx %arg6[%add3A_69, %broadcast_in_dim3A] : memref<512x64xf32, #tpu.memory_space<vmem>>[vector<16xi32>, vector<16xi32>], vector<16xf32>,
      %swap3A_71 = arith.index_cast %scan3A_53 : i32 to index
      %swap3A_72 = arith.constant 288 : index
      %swap3A_73 = tpu.vector_load %arg7[%swap3A_71, %swap3A_72] {strides = array<i32>} : memref<64x512xf32, #tpu.memory_space<vmem>>, vector<16xf32>,
      tpu.vector_store %arg7[%swap3A_71, %swap3A_72], %gather3A_70 {strides = array<i32>} : memref<64x512xf32, #tpu.memory_space<vmem>>, vector<16xf32>,
      %add3A_74 = arith.constant 304 : i32
      %add3A_75 = vector.broadcast %add3A_74 : i32 to vector<16xi32>
      %add3A_76 = arith.addi %iota3A, %add3A_75 : vector<16xi32>
      %gather3A_77 = tpu.vector_load_idx %arg6[%add3A_76, %broadcast_in_dim3A] : memref<512x64xf32, #tpu.memory_space<vmem>>[vector<16xi32>, vector<16xi32>], vector<16xf32>,
      %swap3A_78 = arith.index_cast %scan3A_53 : i32 to index
      %swap3A_79 = arith.constant 304 : index
      %swap3A_80 = tpu.vector_load %arg7[%swap3A_78, %swap3A_79] {strides = array<i32>} : memref<64x512xf32, #tpu.memory_space<vmem>>, vector<16xf32>,
      tpu.vector_store %arg7[%swap3A_78, %swap3A_79], %gather3A_77 {strides = array<i32>} : memref<64x512xf32, #tpu.memory_space<vmem>>, vector<16xf32>,
      %add3A_81 = arith.constant 320 : i32
      %add3A_82 = vector.broadcast %add3A_81 : i32 to vector<16xi32>
      %add3A_83 = arith.addi %iota3A, %add3A_82 : vector<16xi32>
      %gather3A_84 = tpu.vector_load_idx %arg6[%add3A_83, %broadcast_in_dim3A] : memref<512x64xf32, #tpu.memory_space<vmem>>[vector<16xi32>, vector<16xi32>], vector<16xf32>,
      %swap3A_85 = arith.index_cast %scan3A_53 : i32 to index
      %swap3A_86 = arith.constant 320 : index
      %swap3A_87 = tpu.vector_load %arg7[%swap3A_85, %swap3A_86] {strides = array<i32>} : memref<64x512xf32, #tpu.memory_space<vmem>>, vector<16xf32>,
      tpu.vector_store %arg7[%swap3A_85, %swap3A_86], %gather3A_84 {strides = array<i32>} : memref<64x512xf32, #tpu.memory_space<vmem>>, vector<16xf32>,
      %add3A_88 = arith.constant 336 : i32
      %add3A_89 = vector.broadcast %add3A_88 : i32 to vector<16xi32>
      %add3A_90 = arith.addi %iota3A, %add3A_89 : vector<16xi32>
      %gather3A_91 = tpu.vector_load_idx %arg6[%add3A_90, %broadcast_in_dim3A] : memref<512x64xf32, #tpu.memory_space<vmem>>[vector<16xi32>, vector<16xi32>], vector<16xf32>,
      %swap3A_92 = arith.index_cast %scan3A_53 : i32 to index
      %swap3A_93 = arith.constant 336 : index
      %swap3A_94 = tpu.vector_load %arg7[%swap3A_92, %swap3A_93] {strides = array<i32>} : memref<64x512xf32, #tpu.memory_space<vmem>>, vector<16xf32>,
      tpu.vector_store %arg7[%swap3A_92, %swap3A_93], %gather3A_91 {strides = array<i32>} : memref<64x512xf32, #tpu.memory_space<vmem>>, vector<16xf32>,
      %add3A_95 = arith.constant 352 : i32
      %add3A_96 = vector.broadcast %add3A_95 : i32 to vector<16xi32>
      %add3A_97 = arith.addi %iota3A, %add3A_96 : vector<16xi32>
      %gather3A_98 = tpu.vector_load_idx %arg6[%add3A_97, %broadcast_in_dim3A] : memref<512x64xf32, #tpu.memory_space<vmem>>[vector<16xi32>, vector<16xi32>], vector<16xf32>,
      %swap3A_99 = arith.index_cast %scan3A_53 : i32 to index
      %swap3A_100 = arith.constant 352 : index
      %swap3A_101 = tpu.vector_load %arg7[%swap3A_99, %swap3A_100] {strides = array<i32>} : memref<64x512xf32, #tpu.memory_space<vmem>>, vector<16xf32>,
      tpu.vector_store %arg7[%swap3A_99, %swap3A_100], %gather3A_98 {strides = array<i32>} : memref<64x512xf32, #tpu.memory_space<vmem>>, vector<16xf32>,
      %add3A_102 = arith.constant 368 : i32
      %add3A_103 = vector.broadcast %add3A_102 : i32 to vector<16xi32>
      %add3A_104 = arith.addi %iota3A, %add3A_103 : vector<16xi32>
      %gather3A_105 = tpu.vector_load_idx %arg6[%add3A_104, %broadcast_in_dim3A] : memref<512x64xf32, #tpu.memory_space<vmem>>[vector<16xi32>, vector<16xi32>], vector<16xf32>,
      %swap3A_106 = arith.index_cast %scan3A_53 : i32 to index
      %swap3A_107 = arith.constant 368 : index
      %swap3A_108 = tpu.vector_load %arg7[%swap3A_106, %swap3A_107] {strides = array<i32>} : memref<64x512xf32, #tpu.memory_space<vmem>>, vector<16xf32>,
      tpu.vector_store %arg7[%swap3A_106, %swap3A_107], %gather3A_105 {strides = array<i32>} : memref<64x512xf32, #tpu.memory_space<vmem>>, vector<16xf32>,
      %add3A_109 = arith.constant 384 : i32
      %add3A_110 = vector.broadcast %add3A_109 : i32 to vector<16xi32>
      %add3A_111 = arith.addi %iota3A, %add3A_110 : vector<16xi32>
      %gather3A_112 = tpu.vector_load_idx %arg6[%add3A_111, %broadcast_in_dim3A] : memref<512x64xf32, #tpu.memory_space<vmem>>[vector<16xi32>, vector<16xi32>], vector<16xf32>,
      %swap3A_113 = arith.index_cast %scan3A_53 : i32 to index
      %swap3A_114 = arith.constant 384 : index
      %swap3A_115 = tpu.vector_load %arg7[%swap3A_113, %swap3A_114] {strides = array<i32>} : memref<64x512xf32, #tpu.memory_space<vmem>>, vector<16xf32>,
      tpu.vector_store %arg7[%swap3A_113, %swap3A_114], %gather3A_112 {strides = array<i32>} : memref<64x512xf32, #tpu.memory_space<vmem>>, vector<16xf32>,
      %add3A_116 = arith.constant 400 : i32
      %add3A_117 = vector.broadcast %add3A_116 : i32 to vector<16xi32>
      %add3A_118 = arith.addi %iota3A, %add3A_117 : vector<16xi32>
      %gather3A_119 = tpu.vector_load_idx %arg6[%add3A_118, %broadcast_in_dim3A] : memref<512x64xf32, #tpu.memory_space<vmem>>[vector<16xi32>, vector<16xi32>], vector<16xf32>,
      %swap3A_120 = arith.index_cast %scan3A_53 : i32 to index
      %swap3A_121 = arith.constant 400 : index
      %swap3A_122 = tpu.vector_load %arg7[%swap3A_120, %swap3A_121] {strides = array<i32>} : memref<64x512xf32, #tpu.memory_space<vmem>>, vector<16xf32>,
      tpu.vector_store %arg7[%swap3A_120, %swap3A_121], %gather3A_119 {strides = array<i32>} : memref<64x512xf32, #tpu.memory_space<vmem>>, vector<16xf32>,
      %add3A_123 = arith.constant 416 : i32
      %add3A_124 = vector.broadcast %add3A_123 : i32 to vector<16xi32>
      %add3A_125 = arith.addi %iota3A, %add3A_124 : vector<16xi32>
      %gather3A_126 = tpu.vector_load_idx %arg6[%add3A_125, %broadcast_in_dim3A] : memref<512x64xf32, #tpu.memory_space<vmem>>[vector<16xi32>, vector<16xi32>], vector<16xf32>,
      %swap3A_127 = arith.index_cast %scan3A_53 : i32 to index
      %swap3A_128 = arith.constant 416 : index
      %swap3A_129 = tpu.vector_load %arg7[%swap3A_127, %swap3A_128] {strides = array<i32>} : memref<64x512xf32, #tpu.memory_space<vmem>>, vector<16xf32>,
      tpu.vector_store %arg7[%swap3A_127, %swap3A_128], %gather3A_126 {strides = array<i32>} : memref<64x512xf32, #tpu.memory_space<vmem>>, vector<16xf32>,
      %add3A_130 = arith.constant 432 : i32
      %add3A_131 = vector.broadcast %add3A_130 : i32 to vector<16xi32>
      %add3A_132 = arith.addi %iota3A, %add3A_131 : vector<16xi32>
      %gather3A_133 = tpu.vector_load_idx %arg6[%add3A_132, %broadcast_in_dim3A] : memref<512x64xf32, #tpu.memory_space<vmem>>[vector<16xi32>, vector<16xi32>], vector<16xf32>,
      %swap3A_134 = arith.index_cast %scan3A_53 : i32 to index
      %swap3A_135 = arith.constant 432 : index
      %swap3A_136 = tpu.vector_load %arg7[%swap3A_134, %swap3A_135] {strides = array<i32>} : memref<64x512xf32, #tpu.memory_space<vmem>>, vector<16xf32>,
      tpu.vector_store %arg7[%swap3A_134, %swap3A_135], %gather3A_133 {strides = array<i32>} : memref<64x512xf32, #tpu.memory_space<vmem>>, vector<16xf32>,
      %add3A_137 = arith.constant 448 : i32
      %add3A_138 = vector.broadcast %add3A_137 : i32 to vector<16xi32>
      %add3A_139 = arith.addi %iota3A, %add3A_138 : vector<16xi32>
      %gather3A_140 = tpu.vector_load_idx %arg6[%add3A_139, %broadcast_in_dim3A] : memref<512x64xf32, #tpu.memory_space<vmem>>[vector<16xi32>, vector<16xi32>], vector<16xf32>,
      %swap3A_141 = arith.index_cast %scan3A_53 : i32 to index
      %swap3A_142 = arith.constant 448 : index
      %swap3A_143 = tpu.vector_load %arg7[%swap3A_141, %swap3A_142] {strides = array<i32>} : memref<64x512xf32, #tpu.memory_space<vmem>>, vector<16xf32>,
      tpu.vector_store %arg7[%swap3A_141, %swap3A_142], %gather3A_140 {strides = array<i32>} : memref<64x512xf32, #tpu.memory_space<vmem>>, vector<16xf32>,
      %add3A_144 = arith.constant 464 : i32
      %add3A_145 = vector.broadcast %add3A_144 : i32 to vector<16xi32>
      %add3A_146 = arith.addi %iota3A, %add3A_145 : vector<16xi32>
      %gather3A_147 = tpu.vector_load_idx %arg6[%add3A_146, %broadcast_in_dim3A] : memref<512x64xf32, #tpu.memory_space<vmem>>[vector<16xi32>, vector<16xi32>], vector<16xf32>,
      %swap3A_148 = arith.index_cast %scan3A_53 : i32 to index
      %swap3A_149 = arith.constant 464 : index
      %swap3A_150 = tpu.vector_load %arg7[%swap3A_148, %swap3A_149] {strides = array<i32>} : memref<64x512xf32, #tpu.memory_space<vmem>>, vector<16xf32>,
      tpu.vector_store %arg7[%swap3A_148, %swap3A_149], %gather3A_147 {strides = array<i32>} : memref<64x512xf32, #tpu.memory_space<vmem>>, vector<16xf32>,
      %add3A_151 = arith.constant 480 : i32
      %add3A_152 = vector.broadcast %add3A_151 : i32 to vector<16xi32>
      %add3A_153 = arith.addi %iota3A, %add3A_152 : vector<16xi32>
      %gather3A_154 = tpu.vector_load_idx %arg6[%add3A_153, %broadcast_in_dim3A] : memref<512x64xf32, #tpu.memory_space<vmem>>[vector<16xi32>, vector<16xi32>], vector<16xf32>,
      %swap3A_155 = arith.index_cast %scan3A_53 : i32 to index
      %swap3A_156 = arith.constant 480 : index
      %swap3A_157 = tpu.vector_load %arg7[%swap3A_155, %swap3A_156] {strides = array<i32>} : memref<64x512xf32, #tpu.memory_space<vmem>>, vector<16xf32>,
      tpu.vector_store %arg7[%swap3A_155, %swap3A_156], %gather3A_154 {strides = array<i32>} : memref<64x512xf32, #tpu.memory_space<vmem>>, vector<16xf32>,
      %add3A_158 = arith.constant 496 : i32
      %add3A_159 = vector.broadcast %add3A_158 : i32 to vector<16xi32>
      %add3A_160 = arith.addi %iota3A, %add3A_159 : vector<16xi32>
      %gather3A_161 = tpu.vector_load_idx %arg6[%add3A_160, %broadcast_in_dim3A] : memref<512x64xf32, #tpu.memory_space<vmem>>[vector<16xi32>, vector<16xi32>], vector<16xf32>,
      %swap3A_162 = arith.index_cast %scan3A_53 : i32 to index
      %swap3A_163 = arith.constant 496 : index
      %swap3A_164 = tpu.vector_load %arg7[%swap3A_162, %swap3A_163] {strides = array<i32>} : memref<64x512xf32, #tpu.memory_space<vmem>>, vector<16xf32>,
      tpu.vector_store %arg7[%swap3A_162, %swap3A_163], %gather3A_161 {strides = array<i32>} : memref<64x512xf32, #tpu.memory_space<vmem>>, vector<16xf32>,
      %scan3A_165 = arith.constant 0 : i32
      scf.yield %scan3A_165 : i32
    }
    %scan3A_52 = arith.constant 64 : i32
    "tpu.region"() ({
      %run_scoped3A = tpu.sem_alloc : memref<!tpu.dma_semaphore, #tpu.memory_space<semaphore_mem>>
      %dma_start3A = arith.constant 0 : i32
      %dma_start3A_53 = tpu.memref_slice %arg4[%dma_start3A, %mul3A_2] : memref<64x16384xf32, #tpu.memory_space<hbm>> -> memref<64x512xf32, #tpu.memory_space<hbm>>
      %dma_start3A_54 = arith.constant 0 : i32
      %dma_start3A_55 = tpu.memref_slice %arg4[%dma_start3A_54, %mul3A_2] : memref<64x16384xf32, #tpu.memory_space<hbm>> -> memref<64x512xf32, #tpu.memory_space<hbm>>
      tpu.enqueue_dma source(%arg7 : memref<64x512xf32, #tpu.memory_space<vmem>>) target(%dma_start3A_55 : memref<64x512xf32, #tpu.memory_space<hbm>>) target_semaphore(%run_scoped3A : memref<!tpu.dma_semaphore, #tpu.memory_space<semaphore_mem>>)
      %dma_wait3A_56 = arith.constant 0 : i32
      %dma_wait3A_57 = tpu.memref_slice %arg4[%dma_wait3A_56, %mul3A_2] : memref<64x16384xf32, #tpu.memory_space<hbm>> -> memref<64x512xf32, #tpu.memory_space<hbm>>
      %dma_wait3A_58 = arith.constant 0 : i32
      %dma_wait3A_59 = tpu.memref_slice %arg4[%dma_wait3A_58, %mul3A_2] : memref<64x16384xf32, #tpu.memory_space<hbm>> -> memref<64x512xf32, #tpu.memory_space<hbm>>
      tpu.wait_dma2 semaphore(%run_scoped3A : memref<!tpu.dma_semaphore, #tpu.memory_space<semaphore_mem>>) src(%arg7 : memref<64x512xf32, #tpu.memory_space<vmem>>) dst(%dma_wait3A_59 : memref<64x512xf32, #tpu.memory_space<hbm>>)
      tpu.yield
    }) : () -> ()
    return
  }
}

</mosaic_0001>

<sc_bundles>
// kernel: kernel.3.cloned.1.call-start
scs
__scs_entry_jumppad:
0x0: {  	(pc) =	sbr.rel $0x88, $3  }
0x1: {  	(tag) =	ssettag $0x0;
	lr =	simm.s32 $0x1  }
0x2: {  	[smem:$0x3F9F] =	sst lr;
	_ =	strace $0xD0000000  }
0x3: {  	_ = 	snop  }
0x4: {  	_ = 	snop  }
0x5: {  	_ = 	snop  }
0x6: {  	_ = 	snop  }
0x7: {  	_ = 	snop  }
__scs_overlays_trampoline_lowered:
0x8: {  	[smem:$0x3FAE] =	sst s0  }
0x9: {  	[smem:$0x3FAF] =	sst s1  }
0xa: {  	[smem:$0x3FB0] =	sst s2  }
0xb: {  	[smem:$0x3FB1] =	sst s3  }
0xc: {  	[smem:$0x3FB2] =	sst s4  }
0xd: {  	[smem:$0x3FB3] =	sst s5  }
0xe: {  	[smem:$0x3FB4] =	sst s6  }
0xf: {  	[smem:$0x3FB5] =	sst s7  }
0x10: {  	[smem:$0x3FB6] =	sst s8  }
0x11: {  	[smem:$0x3FB7] =	sst s9;
	s0 =	simm.s32 @!p0 $0x0  }
0x12: {  	s1 =	sld [smem:$0x3F9D];
	s0 =	simm.s32 @p0 $0x1  }
0x13: {  	[smem:$0x3FB8] =	sst s0;
	s0 =	simm.s32 @!p1 $0x0  }
0x14: {  	s2 =	sld [smem:$0x3F9C];
	s0 =	simm.s32 @p1 $0x1  }
0x15: {  	[smem:$0x3FB9] =	sst s0;
	s0 =	simm.s32 @!p2 $0x0  }
0x16: {  	s3 =	sld [smem:$0x3FDB];
	s0 =	simm.s32 @p2 $0x1  }
0x17: {  	s4 =	simm.s32 $0x1BF5;
	[smem:$0x3FBB] =	sst s0  }
0x18: {  	s0 =	sld [smem:$0x3F9E];
	_ =	swait.ge [sflag:s4], $0x0  }
0x19: {  	s7 =	sld [smem:$0x3F9F]  }
0x1a: {  	s8 =	sadd.s32 $0xFFFFE003, lr  }
0x1b: {  	s9 =	sadd.s32 $0xFFFFFEF7, lr;
	s5 =	simm.s32 $0xFFFFFFFF;
	p2 =	slt.u32 s8, $0xFFFFF086  }
0x1c: {  	p1 =	slt.u32 s9, $0xF7A;
	s5 =	simm.s32 @!p2 $0x0  }
0x1d: {  	s5 =	simm.s32 @p1 $0x1;
	p0 =	seq.s32 s7, s2  }
0x1e: {  	s7 =	smul.u32 @!p0 $0xF7A, s2;
	p2 =	seq.s32 @!p0 s5, $0x0  }
0x1f: {  	s9 =	smul.u32 $0xF7A, s1;
	s8 =	simm.s32 @!p0 $0x1BF5;
	p2 =	por !p2, p0  }
0x20: {  	[sflag:s8] =	ssyncset.s32 @!p0 $0xFFFFF086;
	s6 =	sadd.s32 @!p0 s3, s7;
	s7 =	simm.s32 @!p0 $0x108  }
0x21: {  	s3 =	sadd.s32 s3, s9;
	s6 =	sadd.s32 @!p0 $0x88, s6;
	s7 =	simm.s32 @p2 $0x1082  }
0x22: {  	[simem:s7], [sflag:s8] =	dma.local @!p0 [hbm:s6], $0xF7A  }
0x23: {  	s9 =	sor.u32 $0xD0000000, s2;
	s6 =	simm.s32 $0x108;
	_ =	swait.ge @!p0 [sflag:s8], $0x0  }
0x24: {  	s3 =	sadd.s32 $0x88, s3;
	s6 =	simm.s32 @!p1 $0x1082;
	[sflag:s4] =	ssyncset.s32 $0xFFFFF086  }
0x25: {  	[simem:s6], [sflag:s4] =	dma.local [hbm:s3], $0xF7A  }
0x26: {  	[smem:$0x3F9F] =	sst s1;
	(tag) =	ssettag s2;
	_ =	strace s9  }
0x27: {  	s1 =	sld [smem:$0x3FAF]  }
0x28: {  	s2 =	sld [smem:$0x3FB0]  }
0x29: {  	s4 =	sld [smem:$0x3FB2]  }
0x2a: {  	p0 =	seq.s32 s5, $0x0;
	s5 =	sld [smem:$0x3FB3]  }
0x2b: {  	s6 =	sld [smem:$0x3FB4]  }
0x2c: {  	s7 =	sld [smem:$0x3FB5]  }
0x2d: {  	s3 =	simm.s32 $0x108;
	s8 =	sld [smem:$0x3FB6]  }
0x2e: {  	s3 =	simm.s32 @!p0 $0x1082;
	s9 =	sld [smem:$0x3FB7]  }
0x2f: {  	lr =	sadd.s32 s0, s3;
	s0 =	sld [smem:$0x3FAE]  }
0x30: {  	s3 =	sld [smem:$0x3FB1]  }
0x31: {  	[smem:$0x3FBA] =	sst s10  }
0x32: {  	s10 =	sld [smem:$0x3FB8];
	_ =	sdelay $0x3  }
0x33: {  	p0 =	seq.s32 s10, $0x1;
	s10 =	sld [smem:$0x3FBA];
	_ =	sdelay $0x3  }
0x34: {  	[smem:$0x3FBA] =	sst s10  }
0x35: {  	s10 =	sld [smem:$0x3FB9];
	_ =	sdelay $0x3  }
0x36: {  	p1 =	seq.s32 s10, $0x1;
	s10 =	sld [smem:$0x3FBA];
	_ =	sdelay $0x3  }
0x37: {  	[smem:$0x3FBA] =	sst s10  }
0x38: {  	s10 =	sld [smem:$0x3FBB]  }
0x39: {  	_ = 	snop;
	(pc) =	sbr.ind lr, $3  }
0x3a: {  	_ = 	snop  }
0x3b: {  	_ = 	snop  }
0x3c: {  	p2 =	seq.s32 s10, $0x1;
	s10 =	sld [smem:$0x3FBA]  }
0x3d: {  	_ =	shalt  }
0x3e: {  	_ =	shalt  }
0x3f: {  	_ =	shalt  }
0x40: {  	_ =	shalt  }
0x41: {  	_ =	shalt  }
0x42: {  	_ =	shalt  }
0x43: {  	_ =	shalt  }
0x44: {  	_ =	shalt  }
0x45: {  	_ =	shalt  }
0x46: {  	_ =	shalt  }
0x47: {  	_ =	shalt  }
0x48: {  	_ =	shalt  }
0x49: {  	_ =	shalt  }
0x4a: {  	_ =	shalt  }
0x4b: {  	_ =	shalt  }
0x4c: {  	_ =	shalt  }
0x4d: {  	_ =	shalt  }
0x4e: {  	_ =	shalt  }
0x4f: {  	_ =	shalt  }
0x50: {  	_ =	shalt  }
0x51: {  	_ =	shalt  }
0x52: {  	_ =	shalt  }
0x53: {  	_ =	shalt  }
0x54: {  	_ =	shalt  }
0x55: {  	_ =	shalt  }
0x56: {  	_ =	shalt  }
0x57: {  	_ =	shalt  }
0x58: {  	_ =	shalt  }
0x59: {  	_ =	shalt  }
0x5a: {  	_ =	shalt  }
0x5b: {  	_ =	shalt  }
0x5c: {  	_ =	shalt  }
0x5d: {  	_ =	shalt  }
0x5e: {  	_ =	shalt  }
0x5f: {  	_ =	shalt  }
0x60: {  	_ =	shalt  }
0x61: {  	_ =	shalt  }
0x62: {  	_ =	shalt  }
0x63: {  	_ =	shalt  }
0x64: {  	_ =	shalt  }
0x65: {  	_ =	shalt  }
0x66: {  	_ =	shalt  }
0x67: {  	_ =	shalt  }
0x68: {  	_ =	shalt  }
0x69: {  	_ =	shalt  }
0x6a: {  	_ =	shalt  }
0x6b: {  	_ =	shalt  }
0x6c: {  	_ =	shalt  }
0x6d: {  	_ =	shalt  }
0x6e: {  	_ =	shalt  }
0x6f: {  	_ =	shalt  }
0x70: {  	_ =	shalt  }
0x71: {  	_ =	shalt  }
0x72: {  	_ =	shalt  }
0x73: {  	_ =	shalt  }
0x74: {  	_ =	shalt  }
0x75: {  	_ =	shalt  }
0x76: {  	_ =	shalt  }
0x77: {  	_ =	shalt  }
0x78: {  	_ =	shalt  }
0x79: {  	_ =	shalt  }
0x7a: {  	_ =	shalt  }
0x7b: {  	_ =	shalt  }
0x7c: {  	_ =	shalt  }
0x7d: {  	_ =	shalt  }
0x7e: {  	_ =	shalt  }
0x7f: {  	_ =	shalt  }
0x80: {  	_ =	shalt  }
0x81: {  	_ =	shalt  }
0x82: {  	_ =	shalt  }
0x83: {  	_ =	shalt  }
0x84: {  	_ =	shalt  }
0x85: {  	_ =	shalt  }
0x86: {  	_ =	shalt  }
0x87: {  	_ =	shalt  }
.Lfunc_end0:
.L_simem_size_0:
called_computation_lowered:
.L_overlay_start_0:
0x88: {  	s2 =	sld [smem:$0x3FD9]  }
0x89: {  	s3 =	sld [smem:$0x3FFE];
	_ =	sdelay $0x1  }
0x8a: {  	s1 =	srdreg.scid  }
0x8b: {  	s0 =	sand.u32 $0x1, s1  }
0x8c: {  	s17 =	sshll.u32 s0, $0xA;
	s2 =	sadd.s32 s3, s2  }
0x8d: {  	s2 =	sadd.s32 s2, s17  }
0x8e: {  	[smem:$0x3FC6] =	sst s2  }
0x8f: {  	_ = 	snop  }
0x90: {  	s2 =	sld [smem:$0x3FC9]  }
0x91: {  	s18 =	sld [smem:$0x3FD0];
	(tm) =	ssettm $0x1  }
0x92: {  	s4 =	sld [smem:$0x3FFB];
	_ =	sdelay $0x3  }
0x93: {  	_ =	strace s4  }
0x94: {  	s4 =	sld [smem:$0x3FFC];
	_ =	sdelay $0x3  }
0x95: {  	_ =	strace s4  }
0x96: {  	s4 =	sld [smem:$0x3FFD];
	_ =	sdelay $0x3  }
0x97: {  	_ =	strace s4  }
0x98: {  	_ =	strace $0x8FFFFFFF  }
0x99: {  	s19 =	sld [smem:$0x3FDB];
	_ =	sdelay $0x1  }
0x9a: {  	s5 =	simm.s32 $_scs_section_size  }
0x9b: {  	s6 =	simm.s32 $_size__tile_overlayer_lowered;
	s7 =	simm.s32 $_tile_overlayer_lowered  }
0x9c: {  	s22 =	simm.s32 $0x1BFF;
	s21 =	sshll.u32 s7, $0x1;
	s4 =	sadd.s32 s5, s19  }
0x9d: {  	s8 =	simm.s32 $0x0;
	s20 =	sshll.u32 s6, $0x1;
	s6 =	sadd.s32 s21, s4  }
0x9e: {  	[timem:s8], [sflag:s22] =	dma.local [hbm:s6], s20  }
0x9f: {  	_ =	swait.ge [sflag:s22], s20  }
0xa0: {  	s5 =	ssub.s32 $0x0, s20;
	[sflag:s22] =	ssyncset.done $0x0  }
0xa1: {  	[sflag:s22] =	ssyncadd.s32 s5;
	_ =	sdelay $0x1  }
0xa2: {  	s23 =	simm.s32 $0x1B8B  }
0xa3: {  	_ =	swait.ge [sflag:s23], $0x1  }
0xa4: {  	[sflag:s23] =	ssyncset.done $0x0  }
0xa5: {  	s25 =	simm.s32 $0x1B8E;
	s24 =	sld [smem:$0x3FFE];
	[sflag:s23] =	ssyncadd.s32 $0xFFFFFFFF  }
0xa6: {  	s26 =	simm.s32 $execute0_lowered;
	[smem:$0x3FD2] =	sst s25  }
0xa7: {  	s6 =	sshll.u32 s26, $0x1;
	_ =	strace $0x80000046;
	[dreg:$0x1] =	wrdreg $0xFFFFFFFF  }
0xa8: {  	s28 =	simm.s32 $_size_execute0_lowered;
	s4 =	sadd.s32 s4, s6;
	[dreg:$0x0] =	wrdreg $0x0  }
0xa9: {  	s6 =	sshll.u32 s28, $0x1;
	[dreg:$0x2] =	wrdreg s4  }
0xaa: {  	[dreg:$0x3] =	wrdreg s6  }
0xab: {  	[dreg:$0x4] =	wrdreg $0xC0  }
0xac: {  	_ =	task [dreg:s8], $0x5FFFF  }
0xad: {  	[dreg:$0x1] =	wrdreg $0xFFFFFFFF  }
0xae: {  	[dreg:$0x0] =	wrdreg $0x60  }
0xaf: {  	[dreg:$0x2] =	wrdreg s24  }
0xb0: {  	[dreg:$0x3] =	wrdreg s2  }
0xb1: {  	[dreg:$0x4] =	wrdreg s18  }
0xb2: {  	[dreg:$0x5] =	wrdreg $0x9  }
0xb3: {  	_ =	task.clear_ibuf [dreg:s8], $0x6FFFF;
	_ =	strace $0x90000046  }
0xb4: {  	s29 =	simm.s32 $0x9;
	_ =	strace $0x80000048  }
0xb5: {  	_ =	swait.ge [sflag:s29], $0x1  }
0xb6: {  	[sflag:s29] =	ssyncadd.s32 $0xFFFFFFFF  }
0xb7: {  	_ =	strace $0x90000048  }
0xb8: {  	_ =	sfence  }
0xb9: {  	s30 =	sld [smem:$0x0];
	_ =	sdelay $0x2  }
0xba: {  	s31 =	sshll.u32 s1, $0xD;
	s1 =	sshrl.u32 s1, $0x2  }
0xbb: {  	s3 =	sand.u32 $0x4000, s31;
	s1 =	sadd.s32 s1, s30  }
0xbc: {  	s0 =	sor.u32 s3, s0;
	s1 =	sshll.u32 s1, $0x11  }
0xbd: {  	s0 =	sor.u32 s1, s0  }
0xbe: {  	s0 =	sadd.s32 $0x8F2B, s0  }
0xbf: {  	[sflag:s0] =	ssyncadd.remote.s32 $0x1  }
0xc0: {  	_ =	sfence.sel $0xFFFF  }
0xc1: {  	[dreg:$0x0] =	wrdreg $0xFFFFFFFF;
	(pc) =	sbr.abs _section_cstart, $3  }
0xc2: {  	[dreg:$0x1] =	wrdreg $0xFFFFFFFF  }
0xc3: {  	_ =	task.clear_ibuf [dreg:s8], $0x2FFFF;
	_ =	strace $0x9FFFFFFF  }
0xc4: {  	(tm) =	ssettm $0x7FFFFFFF  }
0xc5: {  	_ =	shalt  }
tec
execute0_lowered:
.L_overlay_start_1:
0x0: {  	(tag) =	ssettag $0x1  }
0x1: {  	v0 =	vlaneseq.u32  }
0x2: {  	v0 =	vmul.u32 $0x80, v0;
	_ =	sdelay $0x1  }
0x3: {  	s3 =	rddreg [dreg:$0x0];
	v1 =	vor.u32 $0x800, v0  }
0x4: {  	s4 =	rddreg [dreg:$0x1];
	v2 =	vor.u32 $0x1000, v0;
	v3 =	vor.u32 $0x1800, v0;
	v4 =	vor.u32 $0x2000, v0  }
0x5: {  	s5 =	rddreg [dreg:$0x2];
	s6 =	srdreg.scid;
	v5 =	vor.u32 $0x2800, v0;
	v6 =	vor.u32 $0x3000, v0;
	v7 =	vor.u32 $0x3800, v0  }
0x6: {  	s2 =	simm.s32 $0x0;
	s0 =	stileid.u32;
	s10 =	simm.s32 $0x2;
	v8 =	vor.u32 $0x4000, v0;
	v9 =	vor.u32 $0x4800, v0;
	v10 =	vor.u32 $0x5000, v0  }
0x7: {  	s14 =	simm.s32 $0x0;
	s6 =	sand.u32 $0x1, s6;
	[smem:$0x7FF] =	sst s2;
	v11 =	vor.u32 $0x5800, v0;
	v12 =	vor.u32 $0x6000, v0;
	v13 =	vor.u32 $0x6800, v0  }
0x8: {  	s7 =	sshll.u32 s0, $0xA;
	s3 =	sadd.s32 $0x400, s3;
	s8 =	sshll.u32 s6, $0x9;
	v14 =	vor.u32 $0x7000, v0;
	v15 =	vor.u32 $0x7800, v0;
	v16 =	vor.u32 $0x8000, v0  }
0x9: {  	_ =	strace $0x80000047;
	s6 =	ssub.s32 $0x2, s6;
	s7 =	sor.u32 s8, s7;
	v17 =	vor.u32 $0x8800, v0;
	v18 =	vor.u32 $0x9000, v0;
	v19 =	vor.u32 $0x9800, v0  }
0xa: {  	s28 =	sshrl.u32 s6, $0x1;
	v20 =	vor.u32 $0xA000, v0;
	v21 =	vor.u32 $0xA800, v0;
	v22 =	vor.u32 $0xB000, v0;
	s9 =	sshrl.u32 s7, $0x3;
	s30 =	sadd.s32 s5, s7  }
0xb: {  	v23 =	vor.u32 $0xB800, v0;
	v24 =	vor.u32 $0xC000, v0;
	v25 =	vor.u32 $0xC800, v0;
	s6 =	ssub.s32 s6, s28;
	s29 =	sadd.s32 s4, s9;
	[dreg:$0x5] =	wrdreg s30  }
0xc: {  	s8 =	simm.s32 $0x1;
	v26 =	vor.u32 $0xD000, v0;
	v27 =	vor.u32 $0xD800, v0;
	v28 =	vor.u32 $0xE000, v0;
	s31 =	smax.u32 s6, $0x1;
	[dreg:$0x4] =	wrdreg s29  }
0xd: {  	v29 =	vor.u32 $0xE800, v0;
	v30 =	vor.u32 $0xF000, v0;
	v31 =	vor.u32 $0xF800, v0;
	s7 =	simm.s32 $0x3;
	s9 =	simm.s32 $0x280;
	[dreg:$0x6] =	wrdreg s31  }
.LBB2_1:
0xe: {  	s0 =	rddreg [dreg:$0x4]  }
0xf: {  	[tilespmem:s2], [sflag:$0x3] =	stream.linear.gather [hbm4b:s0+s2], $0x200, $0x38;
	[tilespmem:$0x18280] =	vst v63  }
0x10: {  	_ =	swait.ge [sflag:s7], $0x200  }
0x11: {  	[sflag:s7] =	ssyncset.done $0x0  }
0x12: {  	[sflag:s7] =	ssyncadd.s32 $0xFFFFFE00  }
0x13: {  	v32 =	vld [tilespmem:s2+$0x0];
	_ =	sdelay $0x4  }
0x14: {  	v32 =	vshll.u32 v32, $0x4  }
0x15: {  	(v2sf) =	vpush v32, $0x0  }
0x16: {  	(v2sf) =	vpush v32, $0x1  }
0x17: {  	(v2sf) =	vpush v32, $0x2;
	_ =	sdelay $0x1  }
0x18: {  	(v2sf) =	vpush v32, $0x4;
	_ =	sdelay $0x1  }
0x19: {  	(v2sf) =	vpush v32, $0x3  }
0x1a: {  	(v2sf) =	vpush v32, $0x5  }
0x1b: {  	s17 =	simm.s32 $0x2000;
	s16 =	simm.s32 $0x0;
	s18 =	simm.s32 $0x0;
	(v2sf) =	vpush v32, $0x6  }
.LBB2_2:
0x1c: {  	p0 =	sne.s32 s17, $0x1E000  }
0x1d: {  	s29 =	sadd.s32 $0x300, s16;
	s22 =	sadd.s32 $0x800, s16;
	s19 =	smov.u32 s17  }
0x1e: {  	s17 =	sadd.s32 $0x2000, s17;
	s25 =	sadd.s32 $0x600, s16;
	s20 =	sadd.s32 $0x880, s16;
	(v2sf) =	vpush v32, $0x7  }
0x1f: {  	s28 =	sadd.s32 $0x500, s16;
	s23 =	sadd.s32 $0x680, s16;
	s21 =	sadd.s32 $0x900, s16  }
0x20: {  	s30 =	sadd.s32 $0x280, s16;
	s31 =	sadd.s32 $0x480, s16;
	(v2sf) =	vpush v32, $0x8  }
0x21: {  	s15 =	simm.s32 $0x0;
	s0 =	sadd.s32 $0x580, s16;
	s18 =	sadd.s32 $0x10, s18  }
0x22: {  	s1 =	sadd.s32 $0x380, s16;
	s24 =	sadd.s32 $0x780, s16;
	s26 =	spop (v2sf);
	(v2sf) =	vpush v32, $0x9  }
0x23: {  	s11 =	sand.u32 $0x1FFFFFF0, s26;
	s26 =	sadd.s32 $0x700, s16;
	s12 =	spop (v2sf)  }
0x24: {  	s11 =	sadd.s32 s3, s11;
	s12 =	sand.u32 $0x1FFFFFF0, s12;
	s13 =	spop (v2sf);
	(v2sf) =	vpush v32, $0xA  }
0x25: {  	[tilespmem:s30], [sflag:$0x1] =	stream.linear.gather [hbm4b:s11+s15], $0x80, $0x38;
	[tilespmem:$0x18280] =	vst v63  }
0x26: {  	s11 =	sadd.s32 s3, s12;
	s12 =	sadd.s32 $0x400, s16;
	s30 =	spop (v2sf);
	(v2sf) =	vpush v32, $0xB  }
0x27: {  	[tilespmem:s29], [sflag:$0x1] =	stream.linear.gather [hbm4b:s11+s15], $0x80, $0x38;
	[tilespmem:$0x18280] =	vst v63  }
0x28: {  	s11 =	sand.u32 $0x1FFFFFF0, s13;
	s13 =	sand.u32 $0x1FFFFFF0, s30;
	s29 =	spop (v2sf);
	(v2sf) =	vpush v32, $0xC  }
0x29: {  	s11 =	sadd.s32 s3, s11;
	s29 =	sand.u32 $0x1FFFFFF0, s29;
	s30 =	spop (v2sf)  }
0x2a: {  	[tilespmem:s1], [sflag:$0x1] =	stream.linear.gather [hbm4b:s11+s15], $0x80, $0x38;
	(v2sf) =	vpush v32, $0xD;
	[tilespmem:$0x18280] =	vst v63  }
0x2b: {  	s1 =	sadd.s32 s3, s29;
	s11 =	sand.u32 $0x1FFFFFF0, s30;
	s29 =	spop (v2sf)  }
0x2c: {  	[tilespmem:s12], [sflag:$0x1] =	stream.linear.gather [hbm4b:s1+s15], $0x80, $0x38;
	(v2sf) =	vpush v32, $0xE;
	[tilespmem:$0x18280] =	vst v63  }
0x2d: {  	s1 =	sadd.s32 s3, s13;
	s12 =	sand.u32 $0x1FFFFFF0, s29;
	s13 =	spop (v2sf)  }
0x2e: {  	[tilespmem:s31], [sflag:$0x1] =	stream.linear.gather [hbm4b:s1+s15], $0x80, $0x38;
	(v2sf) =	vpush v32, $0xF;
	[tilespmem:$0x18280] =	vst v63  }
0x2f: {  	s1 =	sadd.s32 s3, s11;
	s11 =	sand.u32 $0x1FFFFFF0, s13;
	s13 =	spop (v2sf)  }
0x30: {  	[tilespmem:s28], [sflag:$0x1] =	stream.linear.gather [hbm4b:s1+s15], $0x80, $0x38;
	[tilespmem:$0x18280] =	vst v63  }
0x31: {  	s1 =	sadd.s32 s3, s12;
	s12 =	sand.u32 $0x1FFFFFF0, s13;
	s13 =	spop (v2sf)  }
0x32: {  	[tilespmem:s0], [sflag:$0x1] =	stream.linear.gather [hbm4b:s1+s15], $0x80, $0x38;
	[tilespmem:$0x18280] =	vst v63  }
0x33: {  	s0 =	sadd.s32 s3, s11;
	s1 =	sand.u32 $0x1FFFFFF0, s13;
	s11 =	spop (v2sf)  }
0x34: {  	[tilespmem:s25], [sflag:$0x1] =	stream.linear.gather [hbm4b:s0+s15], $0x80, $0x38;
	[tilespmem:$0x18280] =	vst v63  }
0x35: {  	s0 =	sadd.s32 s3, s12;
	s11 =	sand.u32 $0x1FFFFFF0, s11;
	s12 =	spop (v2sf)  }
0x36: {  	[tilespmem:s23], [sflag:$0x1] =	stream.linear.gather [hbm4b:s0+s15], $0x80, $0x38;
	[tilespmem:$0x18280] =	vst v63  }
0x37: {  	s0 =	sadd.s32 s3, s1;
	s1 =	sand.u32 $0x1FFFFFF0, s12;
	s12 =	spop (v2sf)  }
0x38: {  	[tilespmem:s26], [sflag:$0x1] =	stream.linear.gather [hbm4b:s0+s15], $0x80, $0x38;
	[tilespmem:$0x18280] =	vst v63  }
0x39: {  	s0 =	sadd.s32 s3, s11;
	s11 =	sand.u32 $0x1FFFFFF0, s12;
	s12 =	spop (v2sf)  }
0x3a: {  	[tilespmem:s24], [sflag:$0x1] =	stream.linear.gather [hbm4b:s0+s15], $0x80, $0x38;
	[tilespmem:$0x18280] =	vst v63  }
0x3b: {  	s0 =	sadd.s32 s3, s1;
	s1 =	sand.u32 $0x1FFFFFF0, s12;
	s12 =	spop (v2sf)  }
0x3c: {  	[tilespmem:s22], [sflag:$0x1] =	stream.linear.gather [hbm4b:s0+s15], $0x80, $0x38;
	[tilespmem:$0x18280] =	vst v63  }
0x3d: {  	s0 =	sadd.s32 s3, s11;
	s11 =	sand.u32 $0x1FFFFFF0, s12;
	s12 =	spop (v2sf)  }
0x3e: {  	[tilespmem:s20], [sflag:$0x1] =	stream.linear.gather [hbm4b:s0+s15], $0x80, $0x38;
	[tilespmem:$0x18280] =	vst v63  }
0x3f: {  	s0 =	sadd.s32 s3, s1;
	s1 =	sand.u32 $0x1FFFFFF0, s12  }
0x40: {  	[tilespmem:s21], [sflag:$0x1] =	stream.linear.gather [hbm4b:s0+s15], $0x80, $0x38;
	[tilespmem:$0x18280] =	vst v63  }
0x41: {  	s11 =	sadd.s32 s3, s11;
	s0 =	sadd.s32 $0x980, s16  }
0x42: {  	[tilespmem:s0], [sflag:$0x1] =	stream.linear.gather [hbm4b:s11+s15], $0x80, $0x38;
	[tilespmem:$0x18280] =	vst v63  }
0x43: {  	s1 =	sadd.s32 s3, s1;
	s0 =	sadd.s32 $0xA00, s16  }
0x44: {  	[tilespmem:s0], [sflag:$0x1] =	stream.linear.gather [hbm4b:s1+s15], $0x80, $0x38;
	[tilespmem:$0x18280] =	vst v63  }
0x45: {  	v32 =	vld [tilespmem:s18+$0x0];
	_ =	sdelay $0x4  }
0x46: {  	v32 =	vshll.u32 v32, $0x4  }
0x47: {  	(v2sf) =	vpush v32, $0x0  }
0x48: {  	(v2sf) =	vpush v32, $0x1  }
0x49: {  	(v2sf) =	vpush v32, $0x2;
	_ =	sdelay $0x1  }
0x4a: {  	(v2sf) =	vpush v32, $0x4  }
.Ltmp0:
0x4b: {  	(pc) =	sbr.rel @p0 .LBB2_2-.Ltmp0, $3  }
0x4c: {  	(v2sf) =	vpush v32, $0x3  }
0x4d: {  	(v2sf) =	vpush v32, $0x5;
	_ =	sdelay $0x1  }
0x4e: {  	s16 =	sshra.s32 s19, $0x2;
	(v2sf) =	vpush v32, $0x6  }
0x4f: {  	_ =	sdelay $0x1  }
0x50: {  	(v2sf) =	vpush v32, $0x7  }
0x51: {  	s0 =	sadd.s32 $0x300, s16;
	s19 =	sadd.s32 $0x800, s16;
	s1 =	sadd.s32 $0x600, s16  }
0x52: {  	s17 =	sadd.s32 $0x880, s16;
	s11 =	sadd.s32 $0x500, s16;
	s12 =	sadd.s32 $0x680, s16;
	(v2sf) =	vpush v32, $0x8  }
0x53: {  	s18 =	sadd.s32 $0x900, s16;
	s13 =	sadd.s32 $0x280, s16;
	s22 =	spop (v2sf)  }
0x54: {  	s20 =	sadd.s32 $0x480, s16;
	s22 =	sand.u32 $0x1FFFFFF0, s22;
	s24 =	spop (v2sf)  }
0x55: {  	s22 =	sadd.s32 s3, s22;
	s24 =	sand.u32 $0x1FFFFFF0, s24;
	s25 =	spop (v2sf)  }
0x56: {  	(v2sf) =	vpush v32, $0x9;
	[tilespmem:s13], [sflag:$0x1] =	stream.linear.gather [hbm4b:s22+s15], $0x80, $0x38;
	[tilespmem:$0x18280] =	vst v63  }
0x57: {  	s21 =	sadd.s32 $0x580, s16;
	s26 =	sadd.s32 s3, s24;
	s28 =	spop (v2sf)  }
0x58: {  	(v2sf) =	vpush v32, $0xA;
	[tilespmem:s0], [sflag:$0x1] =	stream.linear.gather [hbm4b:s26+s15], $0x80, $0x38;
	[tilespmem:$0x18280] =	vst v63  }
0x59: {  	s23 =	sadd.s32 $0x380, s16;
	s29 =	sand.u32 $0x1FFFFFF0, s25;
	s30 =	spop (v2sf)  }
0x5a: {  	s13 =	sadd.s32 $0x780, s16;
	(v2sf) =	vpush v32, $0xB;
	s22 =	sadd.s32 s3, s29;
	s25 =	sand.u32 $0x1FFFFFF0, s30  }
0x5b: {  	[tilespmem:s23], [sflag:$0x1] =	stream.linear.gather [hbm4b:s22+s15], $0x80, $0x38;
	[tilespmem:$0x18280] =	vst v63  }
0x5c: {  	s26 =	sadd.s32 $0x400, s16;
	(v2sf) =	vpush v32, $0xC;
	s4 =	spop (v2sf);
	s5 =	sadd.s32 s3, s25  }
0x5d: {  	[tilespmem:s26], [sflag:$0x1] =	stream.linear.gather [hbm4b:s5+s15], $0x80, $0x38;
	[tilespmem:$0x18280] =	vst v63  }
0x5e: {  	s0 =	sadd.s32 $0x700, s16;
	s31 =	sand.u32 $0x1FFFFFF0, s28;
	(v2sf) =	vpush v32, $0xD;
	s6 =	spop (v2sf)  }
0x5f: {  	s22 =	sadd.s32 s3, s31;
	s23 =	sand.u32 $0x1FFFFFF0, s4;
	s26 =	spop (v2sf)  }
0x60: {  	(v2sf) =	vpush v32, $0xE;
	[tilespmem:s20], [sflag:$0x1] =	stream.linear.gather [hbm4b:s22+s15], $0x80, $0x38;
	[tilespmem:$0x18280] =	vst v63  }
0x61: {  	s23 =	sadd.s32 s3, s23;
	s25 =	sand.u32 $0x1FFFFFF0, s6;
	s29 =	spop (v2sf)  }
0x62: {  	(v2sf) =	vpush v32, $0xF;
	[tilespmem:s11], [sflag:$0x1] =	stream.linear.gather [hbm4b:s23+s15], $0x80, $0x38;
	[tilespmem:$0x18280] =	vst v63  }
0x63: {  	s28 =	sand.u32 $0x1FFFFFF0, s26;
	s20 =	sadd.s32 s3, s25;
	s30 =	sand.u32 $0x1FFFFFF0, s29  }
0x64: {  	[tilespmem:s21], [sflag:$0x1] =	stream.linear.gather [hbm4b:s20+s15], $0x80, $0x38;
	[tilespmem:$0x18280] =	vst v63  }
0x65: {  	s29 =	sadd.s32 $0x980, s16;
	s11 =	sadd.s32 s3, s28;
	s31 =	spop (v2sf)  }
0x66: {  	[tilespmem:s1], [sflag:$0x1] =	stream.linear.gather [hbm4b:s11+s15], $0x80, $0x38;
	[tilespmem:$0x18280] =	vst v63  }
0x67: {  	s20 =	sadd.s32 s3, s30;
	s4 =	sand.u32 $0x1FFFFFF0, s31;
	s5 =	spop (v2sf)  }
0x68: {  	[tilespmem:s12], [sflag:$0x1] =	stream.linear.gather [hbm4b:s20+s15], $0x80, $0x38;
	[tilespmem:$0x18280] =	vst v63  }
0x69: {  	s11 =	sand.u32 $0x1FFFFFF0, s5;
	s1 =	sadd.s32 s3, s4;
	s6 =	spop (v2sf)  }
0x6a: {  	[tilespmem:s0], [sflag:$0x1] =	stream.linear.gather [hbm4b:s1+s15], $0x80, $0x38;
	[tilespmem:$0x18280] =	vst v63  }
0x6b: {  	s11 =	sadd.s32 s3, s11;
	s20 =	sand.u32 $0x1FFFFFF0, s6;
	s21 =	spop (v2sf)  }
0x6c: {  	[tilespmem:s13], [sflag:$0x1] =	stream.linear.gather [hbm4b:s11+s15], $0x80, $0x38;
	[tilespmem:$0x18280] =	vst v63  }
0x6d: {  	s0 =	sadd.s32 s3, s20;
	s1 =	sand.u32 $0x1FFFFFF0, s21;
	s22 =	spop (v2sf)  }
0x6e: {  	[tilespmem:s19], [sflag:$0x1] =	stream.linear.gather [hbm4b:s0+s15], $0x80, $0x38;
	[tilespmem:$0x18280] =	vst v63  }
0x6f: {  	s23 =	sand.u32 $0x1FFFFFF0, s22;
	s24 =	spop (v2sf);
	s1 =	sadd.s32 s3, s1  }
0x70: {  	[tilespmem:s17], [sflag:$0x1] =	stream.linear.gather [hbm4b:s1+s15], $0x80, $0x38;
	[tilespmem:$0x18280] =	vst v63  }
0x71: {  	s25 =	sand.u32 $0x1FFFFFF0, s24;
	s26 =	spop (v2sf);
	s0 =	sadd.s32 s3, s23  }
0x72: {  	[tilespmem:s18], [sflag:$0x1] =	stream.linear.gather [hbm4b:s0+s15], $0x80, $0x38;
	[tilespmem:$0x18280] =	vst v63  }
0x73: {  	s30 =	sadd.s32 $0xA00, s16;
	s28 =	sand.u32 $0x1FFFFFF0, s26;
	s1 =	sadd.s32 s3, s25  }
0x74: {  	[tilespmem:s29], [sflag:$0x1] =	stream.linear.gather [hbm4b:s1+s15], $0x80, $0x38;
	[tilespmem:$0x18280] =	vst v63  }
0x75: {  	s31 =	simm.s32 $0x100;
	s4 =	simm.s32 $0x0;
	s0 =	sadd.s32 s3, s28  }
0x76: {  	[tilespmem:s30], [sflag:$0x1] =	stream.linear.gather [hbm4b:s0+s15], $0x80, $0x38;
	[tilespmem:$0x18280] =	vst v63  }
0x77: {  	s1 =	sand.u32 $0x70, s4;
	s0 =	sand.u32 $0x180, s31  }
0x78: {  	s0 =	sor.u32 s1, s0  }
0x79: {  	v63 =	vld [tilespmem:s0+$0x0];
	_ =	sdelay $0x4  }
0x7a: {  	v32 =	vshll.u32 v63, $0x4  }
0x7b: {  	(v2sf) =	vpush v32, $0x0  }
0x7c: {  	(v2sf) =	vpush v32, $0x1  }
0x7d: {  	(v2sf) =	vpush v32, $0x2;
	_ =	sdelay $0x1  }
0x7e: {  	(v2sf) =	vpush v32, $0x3;
	_ =	sdelay $0x2  }
0x7f: {  	(v2sf) =	vpush v32, $0x4;
	_ =	sdelay $0x1  }
0x80: {  	(v2sf) =	vpush v32, $0x5;
	_ =	sdelay $0x1  }
0x81: {  	(v2sf) =	vpush v32, $0x6  }
0x82: {  	(v2sf) =	vpush v32, $0x7  }
0x83: {  	s16 =	simm.s32 $0x4000;
	s5 =	simm.s32 $0x10  }
0x84: {  	s12 =	simm.s32 $0x8600;
	s6 =	simm.s32 $0x8300;
	s20 =	sand.u32 $0x70, s5;
	(v2sf) =	vpush v32, $0x8  }
0x85: {  	s21 =	simm.s32 $0x8800;
	s11 =	simm.s32 $0x8580;
	s29 =	spop (v2sf);
	(v2sf) =	vpush v32, $0x9  }
0x86: {  	s22 =	simm.s32 $0x8780;
	s30 =	spop (v2sf);
	s25 =	sand.u32 $0x1FFFFFF0, s29  }
0x87: {  	s26 =	simm.s32 $0x8280;
	(v2sf) =	vpush v32, $0xA;
	s29 =	spop (v2sf);
	s25 =	sadd.s32 s3, s25  }
0x88: {  	[tilespmem:s26], [sflag:$0x2] =	stream.linear.gather [hbm4b:s25+s2], $0x80, $0x38;
	[tilespmem:$0x18280] =	vst v63  }
0x89: {  	s24 =	simm.s32 $0x8500;
	s0 =	sand.u32 $0x1FFFFFF0, s30;
	s5 =	spop (v2sf);
	(v2sf) =	vpush v32, $0xB  }
0x8a: {  	s28 =	simm.s32 $0x8380;
	s4 =	sand.u32 $0x1FFFFFF0, s29;
	s0 =	sadd.s32 s3, s0  }
0x8b: {  	[tilespmem:s6], [sflag:$0x2] =	stream.linear.gather [hbm4b:s0+s2], $0x80, $0x38;
	[tilespmem:$0x18280] =	vst v63  }
0x8c: {  	s25 =	spop (v2sf);
	s13 =	sadd.s32 s3, s4;
	s6 =	sand.u32 $0x1FFFFFF0, s5  }
0x8d: {  	[tilespmem:s28], [sflag:$0x2] =	stream.linear.gather [hbm4b:s13+s2], $0x80, $0x38;
	[tilespmem:$0x18280] =	vst v63  }
0x8e: {  	s31 =	simm.s32 $0x8400;
	s29 =	spop (v2sf);
	s0 =	sadd.s32 s3, s6  }
0x8f: {  	[tilespmem:s31], [sflag:$0x2] =	stream.linear.gather [hbm4b:s0+s2], $0x80, $0x38;
	[tilespmem:$0x18280] =	vst v63  }
0x90: {  	s23 =	simm.s32 $0x8480;
	s1 =	sand.u32 $0x1FFFFFF0, s25;
	s31 =	spop (v2sf)  }
0x91: {  	s19 =	simm.s32 $0x8A00;
	s1 =	sadd.s32 s3, s1;
	s5 =	spop (v2sf)  }
0x92: {  	(v2sf) =	vpush v32, $0xC;
	[tilespmem:s23], [sflag:$0x2] =	stream.linear.gather [hbm4b:s1+s2], $0x80, $0x38;
	[tilespmem:$0x18280] =	vst v63  }
0x93: {  	s17 =	simm.s32 $0x110;
	s18 =	simm.s32 $0x0;
	s23 =	spop (v2sf)  }
0x94: {  	s15 =	simm.s32 $0x2000;
	s30 =	sand.u32 $0x1FFFFFF0, s29;
	s25 =	spop (v2sf);
	(v2sf) =	vpush v32, $0xD  }
0x95: {  	s26 =	simm.s32 $0x8680;
	s28 =	simm.s32 $0x8700;
	s0 =	sadd.s32 s3, s30  }
0x96: {  	s4 =	sand.u32 $0x1FFFFFF0, s31;
	s6 =	sand.u32 $0x1FFFFFF0, s5;
	s29 =	spop (v2sf);
	(v2sf) =	vpush v32, $0xE  }
0x97: {  	[tilespmem:s24], [sflag:$0x2] =	stream.linear.gather [hbm4b:s0+s2], $0x80, $0x38;
	[tilespmem:$0x18280] =	vst v63  }
0x98: {  	s1 =	sadd.s32 s3, s4;
	s24 =	sand.u32 $0x1FFFFFF0, s23;
	s31 =	spop (v2sf);
	(v2sf) =	vpush v32, $0xF  }
0x99: {  	[tilespmem:s11], [sflag:$0x2] =	stream.linear.gather [hbm4b:s1+s2], $0x80, $0x38;
	[tilespmem:$0x18280] =	vst v63  }
0x9a: {  	s0 =	sadd.s32 s3, s6;
	s23 =	simm.s32 $0x8900;
	s1 =	sadd.s32 s3, s24  }
0x9b: {  	[tilespmem:s12], [sflag:$0x2] =	stream.linear.gather [hbm4b:s0+s2], $0x80, $0x38;
	[tilespmem:$0x18280] =	vst v63  }
0x9c: {  	s24 =	simm.s32 $0x8880;
	s11 =	sand.u32 $0x1FFFFFF0, s25;
	s30 =	sand.u32 $0x1FFFFFF0, s29  }
0x9d: {  	[tilespmem:s26], [sflag:$0x2] =	stream.linear.gather [hbm4b:s1+s2], $0x80, $0x38;
	[tilespmem:$0x18280] =	vst v63  }
0x9e: {  	s11 =	sadd.s32 s3, s11;
	s26 =	sadd.s32 s3, s30;
	s25 =	sand.u32 $0x1FFFFFF0, s31  }
0x9f: {  	[tilespmem:s28], [sflag:$0x2] =	stream.linear.gather [hbm4b:s11+s2], $0x80, $0x38;
	[tilespmem:$0x18280] =	vst v63  }
.LBB2_4:
0xa0: {  	p0 =	sne.s32 s16, $0x1E000  }
0xa1: {  	s0 =	sand.u32 $0x180, s17;
	s1 =	spop (v2sf);
	s11 =	smov.u32 s16  }
0xa2: {  	[tilespmem:s22], [sflag:$0x2] =	stream.linear.gather [hbm4b:s26+s2], $0x80, $0x38;
	[tilespmem:$0x18280] =	vst v63  }
0xa3: {  	s12 =	sadd.s32 s3, s25;
	s1 =	sand.u32 $0x1FFFFFF0, s1;
	s13 =	spop (v2sf)  }
0xa4: {  	[tilespmem:s21], [sflag:$0x2] =	stream.linear.gather [hbm4b:s12+s2], $0x80, $0x38;
	[tilespmem:$0x18280] =	vst v63  }
0xa5: {  	s1 =	sadd.s32 s3, s1;
	s12 =	sand.u32 $0x1FFFFFF0, s13;
	s13 =	spop (v2sf)  }
0xa6: {  	[tilespmem:s24], [sflag:$0x2] =	stream.linear.gather [hbm4b:s1+s2], $0x80, $0x38;
	[tilespmem:$0x18280] =	vst v63  }
0xa7: {  	s1 =	sadd.s32 s3, s12;
	s12 =	sand.u32 $0x1FFFFFF0, s13;
	s13 =	spop (v2sf)  }
0xa8: {  	[tilespmem:s23], [sflag:$0x2] =	stream.linear.gather [hbm4b:s1+s2], $0x80, $0x38;
	[tilespmem:$0x18280] =	vst v63  }
0xa9: {  	s12 =	sadd.s32 s3, s12;
	s1 =	sadd.s32 $0x8980, s18;
	s13 =	sand.u32 $0x1FFFFFF0, s13  }
0xaa: {  	[tilespmem:s1], [sflag:$0x2] =	stream.linear.gather [hbm4b:s12+s2], $0x80, $0x38;
	[tilespmem:$0x18280] =	vst v63  }
0xab: {  	s16 =	sadd.s32 $0x2000, s16;
	s0 =	sor.u32 s20, s0;
	s1 =	sadd.s32 s3, s13  }
0xac: {  	[tilespmem:s19], [sflag:$0x2] =	stream.linear.gather [hbm4b:s1+s2], $0x80, $0x38;
	[tilespmem:$0x18280] =	vst v63  }
0xad: {  	v32 =	vld [tilespmem:s0+$0x0];
	_ =	sdelay $0x4  }
0xae: {  	v32 =	vshll.u32 v32, $0x4  }
0xaf: {  	(v2sf) =	vpush v32, $0x0  }
0xb0: {  	(v2sf) =	vpush v32, $0x1  }
0xb1: {  	(v2sf) =	vpush v32, $0x2  }
0xb2: {  	(v2sf) =	vpush v32, $0x3;
	_ =	sdelay $0x1  }
0xb3: {  	(v2sf) =	vpush v32, $0x4;
	_ =	sdelay $0x1  }
0xb4: {  	s17 =	sadd.s32 $0x10, s17;
	(v2sf) =	vpush v32, $0x5  }
0xb5: {  	s18 =	sshra.s32 s15, $0x2;
	s15 =	smov.u32 s11;
	s0 =	sadd.s32 $0xFFFFFF00, s17  }
0xb6: {  	s26 =	sadd.s32 $0x8580, s18;
	s25 =	sadd.s32 $0x8600, s18;
	s1 =	sadd.s32 $0x8300, s18;
	(v2sf) =	vpush v32, $0x6  }
0xb7: {  	s11 =	sadd.s32 $0x8280, s18;
	s22 =	sadd.s32 $0x8780, s18;
	s12 =	sadd.s32 $0x8480, s18  }
0xb8: {  	s30 =	sadd.s32 $0x8500, s18;
	s21 =	sadd.s32 $0x8800, s18;
	s19 =	sadd.s32 $0x8A00, s18;
	(v2sf) =	vpush v32, $0x7  }
0xb9: {  	s28 =	sadd.s32 $0x8680, s18;
	s24 =	sadd.s32 $0x8880, s18;
	s20 =	sand.u32 $0x70, s0  }
0xba: {  	s23 =	sadd.s32 $0x8900, s18;
	(v2sf) =	vpush v32, $0x8  }
0xbb: {  	s29 =	sadd.s32 $0x8700, s18  }
0xbc: {  	s0 =	sadd.s32 $0x8400, s18;
	s13 =	spop (v2sf);
	(v2sf) =	vpush v32, $0x9  }
0xbd: {  	s13 =	sand.u32 $0x1FFFFFF0, s13;
	s31 =	spop (v2sf)  }
0xbe: {  	s4 =	sadd.s32 $0x8380, s18;
	s31 =	sand.u32 $0x1FFFFFF0, s31;
	s5 =	spop (v2sf);
	(v2sf) =	vpush v32, $0xA  }
0xbf: {  	s13 =	sadd.s32 s3, s13;
	s5 =	sand.u32 $0x1FFFFFF0, s5;
	s6 =	spop (v2sf)  }
0xc0: {  	[tilespmem:s11], [sflag:$0x2] =	stream.linear.gather [hbm4b:s13+s2], $0x80, $0x38;
	(v2sf) =	vpush v32, $0xB;
	[tilespmem:$0x18280] =	vst v63  }
0xc1: {  	s11 =	sadd.s32 s3, s31;
	s6 =	sand.u32 $0x1FFFFFF0, s6;
	s13 =	spop (v2sf)  }
0xc2: {  	[tilespmem:s1], [sflag:$0x2] =	stream.linear.gather [hbm4b:s11+s2], $0x80, $0x38;
	[tilespmem:$0x18280] =	vst v63  }
0xc3: {  	s1 =	sadd.s32 s3, s5;
	s5 =	sand.u32 $0x1FFFFFF0, s13;
	s11 =	spop (v2sf)  }
0xc4: {  	[tilespmem:s4], [sflag:$0x2] =	stream.linear.gather [hbm4b:s1+s2], $0x80, $0x38;
	(v2sf) =	vpush v32, $0xC;
	[tilespmem:$0x18280] =	vst v63  }
0xc5: {  	s1 =	sadd.s32 s3, s6;
	s4 =	sand.u32 $0x1FFFFFF0, s11;
	s6 =	spop (v2sf)  }
0xc6: {  	[tilespmem:s0], [sflag:$0x2] =	stream.linear.gather [hbm4b:s1+s2], $0x80, $0x38;
	(v2sf) =	vpush v32, $0xD;
	[tilespmem:$0x18280] =	vst v63  }
0xc7: {  	s0 =	sadd.s32 s3, s5;
	s1 =	sand.u32 $0x1FFFFFF0, s6;
	s5 =	spop (v2sf)  }
0xc8: {  	[tilespmem:s12], [sflag:$0x2] =	stream.linear.gather [hbm4b:s0+s2], $0x80, $0x38;
	(v2sf) =	vpush v32, $0xE;
	[tilespmem:$0x18280] =	vst v63  }
0xc9: {  	s0 =	sadd.s32 s3, s4;
	s4 =	sand.u32 $0x1FFFFFF0, s5;
	s5 =	spop (v2sf)  }
0xca: {  	[tilespmem:s30], [sflag:$0x2] =	stream.linear.gather [hbm4b:s0+s2], $0x80, $0x38;
	(v2sf) =	vpush v32, $0xF;
	[tilespmem:$0x18280] =	vst v63  }
0xcb: {  	s0 =	sadd.s32 s3, s1;
	s1 =	sand.u32 $0x1FFFFFF0, s5;
	s5 =	spop (v2sf)  }
0xcc: {  	[tilespmem:s26], [sflag:$0x2] =	stream.linear.gather [hbm4b:s0+s2], $0x80, $0x38;
	[tilespmem:$0x18280] =	vst v63  }
0xcd: {  	s0 =	sadd.s32 s3, s4;
	s4 =	sand.u32 $0x1FFFFFF0, s5;
	s5 =	spop (v2sf)  }
0xce: {  	[tilespmem:s25], [sflag:$0x2] =	stream.linear.gather [hbm4b:s0+s2], $0x80, $0x38;
	[tilespmem:$0x18280] =	vst v63  }
.Ltmp1:
0xcf: {  	_ = 	snop;
	(pc) =	sbr.rel @p0 .LBB2_4-.Ltmp1, $4  }
0xd0: {  	s0 =	sadd.s32 s3, s1;
	s1 =	sand.u32 $0x1FFFFFF0, s5;
	s5 =	spop (v2sf)  }
0xd1: {  	[tilespmem:s28], [sflag:$0x2] =	stream.linear.gather [hbm4b:s0+s2], $0x80, $0x38;
	[tilespmem:$0x18280] =	vst v63  }
0xd2: {  	s26 =	sadd.s32 s3, s1;
	s0 =	sadd.s32 s3, s4;
	s25 =	sand.u32 $0x1FFFFFF0, s5  }
0xd3: {  	[tilespmem:s29], [sflag:$0x2] =	stream.linear.gather [hbm4b:s0+s2], $0x80, $0x38;
	[tilespmem:$0x18280] =	vst v63  }
0xd4: {  	s0 =	sand.u32 $0x180, s17;
	s1 =	spop (v2sf)  }
0xd5: {  	[tilespmem:s22], [sflag:$0x2] =	stream.linear.gather [hbm4b:s26+s2], $0x80, $0x38;
	[tilespmem:$0x18280] =	vst v63  }
0xd6: {  	s4 =	sadd.s32 s3, s25;
	s1 =	sand.u32 $0x1FFFFFF0, s1;
	s5 =	spop (v2sf)  }
0xd7: {  	[tilespmem:s21], [sflag:$0x2] =	stream.linear.gather [hbm4b:s4+s2], $0x80, $0x38;
	[tilespmem:$0x18280] =	vst v63  }
0xd8: {  	s1 =	sadd.s32 s3, s1;
	s6 =	sand.u32 $0x1FFFFFF0, s5;
	s11 =	spop (v2sf)  }
0xd9: {  	[tilespmem:s24], [sflag:$0x2] =	stream.linear.gather [hbm4b:s1+s2], $0x80, $0x38;
	[tilespmem:$0x18280] =	vst v63  }
0xda: {  	s12 =	sadd.s32 s3, s6;
	s13 =	sand.u32 $0x1FFFFFF0, s11;
	s16 =	spop (v2sf)  }
0xdb: {  	[tilespmem:s23], [sflag:$0x2] =	stream.linear.gather [hbm4b:s12+s2], $0x80, $0x38;
	[tilespmem:$0x18280] =	vst v63  }
0xdc: {  	s17 =	sadd.s32 $0x8980, s18;
	s4 =	sadd.s32 s3, s13;
	s5 =	sand.u32 $0x1FFFFFF0, s16  }
0xdd: {  	[tilespmem:s17], [sflag:$0x2] =	stream.linear.gather [hbm4b:s4+s2], $0x80, $0x38;
	[tilespmem:$0x18280] =	vst v63  }
0xde: {  	s0 =	sor.u32 s20, s0;
	s18 =	sadd.s32 s3, s5  }
0xdf: {  	[tilespmem:s19], [sflag:$0x2] =	stream.linear.gather [hbm4b:s18+s2], $0x80, $0x38;
	[tilespmem:$0x18280] =	vst v63  }
0xe0: {  	v32 =	vld [tilespmem:s0+$0x0];
	_ =	sdelay $0x4  }
0xe1: {  	v32 =	vshll.u32 v32, $0x4  }
0xe2: {  	(v2sf) =	vpush v32, $0x0  }
0xe3: {  	(v2sf) =	vpush v32, $0x1  }
0xe4: {  	(v2sf) =	vpush v32, $0x2;
	_ =	sdelay $0x1  }
0xe5: {  	(v2sf) =	vpush v32, $0x3;
	_ =	sdelay $0x1  }
0xe6: {  	(v2sf) =	vpush v32, $0x4;
	_ =	sdelay $0x1  }
0xe7: {  	(v2sf) =	vpush v32, $0x5;
	_ =	sdelay $0x1  }
0xe8: {  	(v2sf) =	vpush v32, $0x6  }
0xe9: {  	s16 =	sshra.s32 s15, $0x2  }
0xea: {  	s20 =	sadd.s32 $0x8300, s16;
	s1 =	sadd.s32 $0x8580, s16;
	s21 =	sadd.s32 $0x8280, s16;
	(v2sf) =	vpush v32, $0x7  }
0xeb: {  	s6 =	sadd.s32 $0x8480, s16;
	s11 =	sadd.s32 $0x8780, s16;
	s12 =	sadd.s32 $0x8500, s16  }
0xec: {  	s15 =	sadd.s32 $0x8800, s16;
	s23 =	sadd.s32 $0x8400, s16;
	s24 =	sadd.s32 $0x8380, s16;
	(v2sf) =	vpush v32, $0x8  }
0xed: {  	s4 =	sadd.s32 $0x8600, s16;
	s17 =	sadd.s32 $0x8680, s16;
	s13 =	spop (v2sf)  }
0xee: {  	s18 =	sadd.s32 $0x8700, s16;
	(v2sf) =	vpush v32, $0x9;
	s22 =	spop (v2sf);
	s13 =	sand.u32 $0x1FFFFFF0, s13  }
0xef: {  	(v2sf) =	vpush v32, $0xA;
	s19 =	sand.u32 $0x1FFFFFF0, s22;
	s25 =	spop (v2sf);
	s13 =	sadd.s32 s3, s13  }
0xf0: {  	[tilespmem:s21], [sflag:$0x2] =	stream.linear.gather [hbm4b:s13+s2], $0x80, $0x38;
	[tilespmem:$0x18280] =	vst v63  }
0xf1: {  	(v2sf) =	vpush v32, $0xB;
	s26 =	sand.u32 $0x1FFFFFF0, s25;
	s28 =	spop (v2sf);
	s19 =	sadd.s32 s3, s19  }
0xf2: {  	[tilespmem:s20], [sflag:$0x2] =	stream.linear.gather [hbm4b:s19+s2], $0x80, $0x38;
	[tilespmem:$0x18280] =	vst v63  }
0xf3: {  	(v2sf) =	vpush v32, $0xC;
	s29 =	sand.u32 $0x1FFFFFF0, s28;
	s30 =	spop (v2sf);
	s5 =	sadd.s32 s3, s26  }
0xf4: {  	[tilespmem:s24], [sflag:$0x2] =	stream.linear.gather [hbm4b:s5+s2], $0x80, $0x38;
	[tilespmem:$0x18280] =	vst v63  }
0xf5: {  	(v2sf) =	vpush v32, $0xD;
	s31 =	sand.u32 $0x1FFFFFF0, s30;
	s19 =	spop (v2sf);
	s0 =	sadd.s32 s3, s29  }
0xf6: {  	[tilespmem:s23], [sflag:$0x2] =	stream.linear.gather [hbm4b:s0+s2], $0x80, $0x38;
	[tilespmem:$0x18280] =	vst v63  }
0xf7: {  	s21 =	sand.u32 $0x1FFFFFF0, s19;
	s22 =	spop (v2sf);
	s5 =	sadd.s32 s3, s31  }
0xf8: {  	[tilespmem:s6], [sflag:$0x2] =	stream.linear.gather [hbm4b:s5+s2], $0x80, $0x38;
	[tilespmem:$0x18280] =	vst v63  }
0xf9: {  	(v2sf) =	vpush v32, $0xE;
	s24 =	spop (v2sf);
	s23 =	sand.u32 $0x1FFFFFF0, s22;
	s0 =	sadd.s32 s3, s21  }
0xfa: {  	[tilespmem:s12], [sflag:$0x2] =	stream.linear.gather [hbm4b:s0+s2], $0x80, $0x38;
	[tilespmem:$0x18280] =	vst v63  }
0xfb: {  	(v2sf) =	vpush v32, $0xF;
	s25 =	sand.u32 $0x1FFFFFF0, s24;
	s26 =	spop (v2sf);
	s5 =	sadd.s32 s3, s23  }
0xfc: {  	[tilespmem:s1], [sflag:$0x2] =	stream.linear.gather [hbm4b:s5+s2], $0x80, $0x38;
	[tilespmem:$0x18280] =	vst v63  }
0xfd: {  	s28 =	sand.u32 $0x1FFFFFF0, s26;
	s0 =	sadd.s32 s3, s25;
	s29 =	spop (v2sf)  }
0xfe: {  	s1 =	sadd.s32 s3, s28;
	s30 =	sand.u32 $0x1FFFFFF0, s29;
	s31 =	spop (v2sf)  }
0xff: {  	[tilespmem:s4], [sflag:$0x2] =	stream.linear.gather [hbm4b:s0+s2], $0x80, $0x38;
	[tilespmem:$0x18280] =	vst v63  }
0x100: {  	s4 =	sand.u32 $0x1FFFFFF0, s31;
	s5 =	spop (v2sf);
	s0 =	sadd.s32 s3, s30  }
0x101: {  	[tilespmem:s17], [sflag:$0x2] =	stream.linear.gather [hbm4b:s1+s2], $0x80, $0x38;
	[tilespmem:$0x18280] =	vst v63  }
0x102: {  	s6 =	sadd.s32 s3, s4;
	s12 =	sand.u32 $0x1FFFFFF0, s5;
	s13 =	spop (v2sf)  }
0x103: {  	[tilespmem:s18], [sflag:$0x2] =	stream.linear.gather [hbm4b:s0+s2], $0x80, $0x38;
	[tilespmem:$0x18280] =	vst v63  }
0x104: {  	s17 =	sadd.s32 $0x8880, s16;
	s4 =	sand.u32 $0x1FFFFFF0, s13;
	s19 =	spop (v2sf)  }
0x105: {  	[tilespmem:s11], [sflag:$0x2] =	stream.linear.gather [hbm4b:s6+s2], $0x80, $0x38;
	[tilespmem:$0x18280] =	vst v63  }
0x106: {  	s1 =	sadd.s32 s3, s12;
	s4 =	sadd.s32 s3, s4;
	s20 =	sand.u32 $0x1FFFFFF0, s19  }
0x107: {  	[tilespmem:s15], [sflag:$0x2] =	stream.linear.gather [hbm4b:s1+s2], $0x80, $0x38;
	[tilespmem:$0x18280] =	vst v63  }
0x108: {  	s21 =	spop (v2sf);
	s18 =	sadd.s32 $0x8900, s16;
	s15 =	simm.s32 $0x0  }
0x109: {  	[tilespmem:s17], [sflag:$0x2] =	stream.linear.gather [hbm4b:s4+s2], $0x80, $0x38;
	[tilespmem:$0x18280] =	vst v63  }
0x10a: {  	s0 =	sadd.s32 s3, s20;
	s22 =	spop (v2sf);
	v50 =	vmov s15;
	s4 =	sand.u32 $0x1FFFFFF0, s21  }
0x10b: {  	v32 =	vand.u32 $0x7F, v50;
	[tilespmem:s18], [sflag:$0x2] =	stream.linear.gather [hbm4b:s0+s2], $0x80, $0x38;
	[tilespmem:$0x18280] =	vst v63  }
0x10c: {  	s23 =	sadd.s32 $0x8980, s16;
	s25 =	sand.u32 $0x1FFFFFF0, s22;
	s24 =	sadd.s32 s3, s4;
	v32 =	vbroadcast v32, $0x0  }
0x10d: {  	[tilespmem:s23], [sflag:$0x2] =	stream.linear.gather [hbm4b:s24+s2], $0x80, $0x38;
	[tilespmem:$0x18280] =	vst v63  }
0x10e: {  	s26 =	sadd.s32 $0x8A00, s16;
	s28 =	sadd.s32 s3, s25;
	v33 =	vor.u32 v0, v32  }
0x10f: {  	[tilespmem:s26], [sflag:$0x2] =	stream.linear.gather [hbm4b:s28+s2], $0x80, $0x38;
	[tilespmem:$0x18280] =	vst v63  }
0x110: {  	_ =	swait.ge [sflag:s8], $0x8000  }
0x111: {  	[sflag:s8] =	ssyncset.done $0x0  }
0x112: {  	[sflag:s8] =	ssyncadd.s32 $0xFFFF8000  }
0x113: {  	v33 =	vld.idx.msk [tilespmem:v33+s9+$0x0], $0xffff  }
0x114: {  	v34 =	vor.u32 v1, v32;
	_ =	sdelay $0x1  }
0x115: {  	s29 =	sand.u32 $0x7000, s15;
	s30 =	sand.u32 $0x380, s15  }
0x116: {  	s0 =	sor.u32 s30, s29  }
0x117: {  	[tilespmem:s0+$0x10280] =	vst v33  }
0x118: {  	v33 =	vld.idx.msk [tilespmem:v34+s9+$0x0], $0xffff  }
0x119: {  	v51 =	vor.u32 v2, v32;
	_ =	sdelay $0x2  }
0x11a: {  	s16 =	sadd.s32 $0x10280, s0  }
0x11b: {  	[tilespmem:s16+$0x10] =	vst v33  }
0x11c: {  	v33 =	vld.idx.msk [tilespmem:v51+s9+$0x0], $0xffff  }
0x11d: {  	v52 =	vor.u32 v3, v32;
	_ =	sdelay $0x3  }
0x11e: {  	[tilespmem:s16+$0x20] =	vst v33  }
0x11f: {  	v33 =	vld.idx.msk [tilespmem:v52+s9+$0x0], $0xffff  }
0x120: {  	v53 =	vor.u32 v4, v32;
	_ =	sdelay $0x3  }
0x121: {  	[tilespmem:s16+$0x30] =	vst v33  }
0x122: {  	v33 =	vld.idx.msk [tilespmem:v53+s9+$0x0], $0xffff  }
0x123: {  	v54 =	vor.u32 v5, v32;
	_ =	sdelay $0x3  }
0x124: {  	[tilespmem:s16+$0x40] =	vst v33  }
0x125: {  	v33 =	vld.idx.msk [tilespmem:v54+s9+$0x0], $0xffff  }
0x126: {  	v55 =	vor.u32 v6, v32;
	_ =	sdelay $0x3  }
0x127: {  	[tilespmem:s16+$0x50] =	vst v33  }
0x128: {  	v33 =	vld.idx.msk [tilespmem:v55+s9+$0x0], $0xffff  }
0x129: {  	v56 =	vor.u32 v7, v32;
	_ =	sdelay $0x3  }
0x12a: {  	[tilespmem:s16+$0x60] =	vst v33  }
0x12b: {  	v33 =	vld.idx.msk [tilespmem:v56+s9+$0x0], $0xffff  }
0x12c: {  	v57 =	vor.u32 v8, v32;
	_ =	sdelay $0x3  }
0x12d: {  	[tilespmem:s16+$0x70] =	vst v33  }
0x12e: {  	v33 =	vld.idx.msk [tilespmem:v57+s9+$0x0], $0xffff  }
0x12f: {  	v58 =	vor.u32 v9, v32;
	_ =	sdelay $0x3  }
0x130: {  	[tilespmem:s16+$0x400] =	vst v33  }
0x131: {  	v33 =	vld.idx.msk [tilespmem:v58+s9+$0x0], $0xffff  }
0x132: {  	v59 =	vor.u32 v10, v32;
	_ =	sdelay $0x3  }
0x133: {  	[tilespmem:s16+$0x410] =	vst v33  }
0x134: {  	v33 =	vld.idx.msk [tilespmem:v59+s9+$0x0], $0xffff  }
0x135: {  	v60 =	vor.u32 v11, v32;
	_ =	sdelay $0x3  }
0x136: {  	[tilespmem:s16+$0x420] =	vst v33  }
0x137: {  	v33 =	vld.idx.msk [tilespmem:v60+s9+$0x0], $0xffff  }
0x138: {  	v61 =	vor.u32 v12, v32;
	_ =	sdelay $0x3  }
0x139: {  	[tilespmem:s16+$0x430] =	vst v33  }
0x13a: {  	v33 =	vld.idx.msk [tilespmem:v61+s9+$0x0], $0xffff  }
0x13b: {  	v62 =	vor.u32 v13, v32;
	_ =	sdelay $0x3  }
0x13c: {  	[tilespmem:s16+$0x440] =	vst v33  }
0x13d: {  	v33 =	vld.idx.msk [tilespmem:v62+s9+$0x0], $0xffff  }
0x13e: {  	v63 =	vor.u32 v14, v32;
	_ =	sdelay $0x3  }
0x13f: {  	[tilespmem:s16+$0x450] =	vst v33  }
0x140: {  	v34 =	vld.idx.msk [tilespmem:v63+s9+$0x0], $0xffff  }
0x141: {  	v33 =	vor.u32 v15, v32;
	_ =	sdelay $0x1  }
0x142: {  	s31 =	simm.s32 $0x1  }
0x143: {  	s17 =	simm.s32 $0x0;
	s18 =	simm.s32 $0x2;
	v32 =	vmov s31  }
.LBB2_6:
0x144: {  	p0 =	sne.s32 s18, $0x3F;
	v32 =	vand.u32 $0x7F, v32;
	[tilespmem:s16+$0x460] =	vst v34  }
0x145: {  	v32 =	vbroadcast v32, $0x0;
	v33 =	vld.idx.msk [tilespmem:v33+s9+$0x0], $0xffff;
	_ =	sdelay $0x1  }
0x146: {  	v34 =	vor.u32 v0, v32;
	_ =	sdelay $0x3  }
0x147: {  	[tilespmem:s16+$0x470] =	vst v33  }
0x148: {  	v33 =	vld.idx.msk [tilespmem:v34+s9+$0x0], $0xffff;
	_ =	sdelay $0x1  }
0x149: {  	v34 =	vor.u32 v1, v32  }
0x14a: {  	s15 =	sadd.s32 $0x80, s15;
	s17 =	sadd.s32 $0x200, s17  }
0x14b: {  	s0 =	sand.u32 $0x7000, s17;
	s1 =	sand.u32 $0x380, s15  }
0x14c: {  	s0 =	sor.u32 s1, s0  }
0x14d: {  	[tilespmem:s0+$0x10280] =	vst v33  }
0x14e: {  	v33 =	vld.idx.msk [tilespmem:v34+s9+$0x0], $0xffff;
	_ =	sdelay $0x1  }
0x14f: {  	v34 =	vor.u32 v2, v32;
	_ =	sdelay $0x2  }
0x150: {  	s16 =	sadd.s32 $0x10280, s0  }
0x151: {  	[tilespmem:s16+$0x10] =	vst v33  }
0x152: {  	v33 =	vld.idx.msk [tilespmem:v34+s9+$0x0], $0xffff;
	_ =	sdelay $0x1  }
0x153: {  	v34 =	vor.u32 v3, v32;
	_ =	sdelay $0x3  }
0x154: {  	[tilespmem:s16+$0x20] =	vst v33  }
0x155: {  	v33 =	vld.idx.msk [tilespmem:v34+s9+$0x0], $0xffff;
	_ =	sdelay $0x1  }
0x156: {  	v34 =	vor.u32 v4, v32;
	_ =	sdelay $0x3  }
0x157: {  	[tilespmem:s16+$0x30] =	vst v33  }
0x158: {  	v33 =	vld.idx.msk [tilespmem:v34+s9+$0x0], $0xffff;
	_ =	sdelay $0x1  }
0x159: {  	v34 =	vor.u32 v5, v32;
	_ =	sdelay $0x3  }
0x15a: {  	[tilespmem:s16+$0x40] =	vst v33  }
0x15b: {  	v33 =	vld.idx.msk [tilespmem:v34+s9+$0x0], $0xffff;
	_ =	sdelay $0x1  }
0x15c: {  	v34 =	vor.u32 v6, v32;
	_ =	sdelay $0x3  }
0x15d: {  	[tilespmem:s16+$0x50] =	vst v33  }
0x15e: {  	v33 =	vld.idx.msk [tilespmem:v34+s9+$0x0], $0xffff;
	_ =	sdelay $0x1  }
0x15f: {  	v34 =	vor.u32 v7, v32;
	_ =	sdelay $0x3  }
0x160: {  	[tilespmem:s16+$0x60] =	vst v33  }
0x161: {  	v33 =	vld.idx.msk [tilespmem:v34+s9+$0x0], $0xffff;
	_ =	sdelay $0x1  }
0x162: {  	v34 =	vor.u32 v8, v32;
	_ =	sdelay $0x3  }
0x163: {  	[tilespmem:s16+$0x70] =	vst v33  }
0x164: {  	v33 =	vld.idx.msk [tilespmem:v34+s9+$0x0], $0xffff;
	_ =	sdelay $0x1  }
0x165: {  	v34 =	vor.u32 v9, v32;
	_ =	sdelay $0x3  }
0x166: {  	[tilespmem:s16+$0x400] =	vst v33  }
0x167: {  	v33 =	vld.idx.msk [tilespmem:v34+s9+$0x0], $0xffff;
	_ =	sdelay $0x1  }
0x168: {  	v34 =	vor.u32 v10, v32;
	_ =	sdelay $0x3  }
0x169: {  	[tilespmem:s16+$0x410] =	vst v33  }
0x16a: {  	v33 =	vld.idx.msk [tilespmem:v34+s9+$0x0], $0xffff;
	_ =	sdelay $0x1  }
0x16b: {  	v34 =	vor.u32 v11, v32;
	_ =	sdelay $0x3  }
0x16c: {  	[tilespmem:s16+$0x420] =	vst v33  }
0x16d: {  	v33 =	vld.idx.msk [tilespmem:v34+s9+$0x0], $0xffff;
	_ =	sdelay $0x1  }
0x16e: {  	v34 =	vor.u32 v12, v32;
	_ =	sdelay $0x3  }
0x16f: {  	[tilespmem:s16+$0x430] =	vst v33  }
0x170: {  	v33 =	vld.idx.msk [tilespmem:v34+s9+$0x0], $0xffff;
	_ =	sdelay $0x1  }
0x171: {  	v34 =	vor.u32 v13, v32;
	_ =	sdelay $0x3  }
0x172: {  	[tilespmem:s16+$0x440] =	vst v33  }
0x173: {  	v33 =	vld.idx.msk [tilespmem:v34+s9+$0x0], $0xffff;
	_ =	sdelay $0x1  }
0x174: {  	v34 =	vor.u32 v14, v32;
	_ =	sdelay $0x3  }
0x175: {  	[tilespmem:s16+$0x450] =	vst v33  }
0x176: {  	v34 =	vld.idx.msk [tilespmem:v34+s9+$0x0], $0xffff  }
.Ltmp2:
0x177: {  	(pc) =	sbr.rel @p0 .LBB2_6-.Ltmp2, $2  }
0x178: {  	v33 =	vor.u32 v15, v32;
	_ =	sdelay $0x2  }
0x179: {  	v32 =	vmov s18;
	s18 =	sadd.s32 $0x1, s18  }
0x17a: {  	_ =	sdelay $0x1  }
0x17b: {  	v32 =	vand.u32 $0x7F, v32  }
0x17c: {  	[tilespmem:s16+$0x460] =	vst v34;
	v32 =	vbroadcast v32, $0x0  }
0x17d: {  	v33 =	vld.idx.msk [tilespmem:v33+s9+$0x0], $0xffff  }
0x17e: {  	v60 =	vor.u32 v0, v32;
	_ =	sdelay $0x3  }
0x17f: {  	[tilespmem:s16+$0x470] =	vst v33  }
0x180: {  	v33 =	vld.idx.msk [tilespmem:v60+s9+$0x0], $0xffff  }
0x181: {  	v61 =	vor.u32 v1, v32  }
0x182: {  	s0 =	sadd.s32 $0x80, s15;
	s1 =	sadd.s32 $0x200, s17  }
0x183: {  	s1 =	sand.u32 $0x7000, s1;
	s0 =	sand.u32 $0x380, s0  }
0x184: {  	s0 =	sor.u32 s0, s1  }
0x185: {  	[tilespmem:s0+$0x10280] =	vst v33  }
0x186: {  	v33 =	vld.idx.msk [tilespmem:v61+s9+$0x0], $0xffff  }
0x187: {  	v62 =	vor.u32 v2, v32;
	_ =	sdelay $0x2  }
0x188: {  	s0 =	sadd.s32 $0x10280, s0  }
0x189: {  	[tilespmem:s0+$0x10] =	vst v33  }
0x18a: {  	v33 =	vld.idx.msk [tilespmem:v62+s9+$0x0], $0xffff  }
0x18b: {  	v63 =	vor.u32 v3, v32;
	_ =	sdelay $0x3  }
0x18c: {  	[tilespmem:s0+$0x20] =	vst v33  }
0x18d: {  	v33 =	vld.idx.msk [tilespmem:v63+s9+$0x0], $0xffff  }
0x18e: {  	v36 =	vor.u32 v4, v32;
	_ =	sdelay $0x3  }
0x18f: {  	[tilespmem:s0+$0x30] =	vst v33  }
0x190: {  	v33 =	vld.idx.msk [tilespmem:v36+s9+$0x0], $0xffff  }
0x191: {  	v37 =	vor.u32 v5, v32;
	_ =	sdelay $0x3  }
0x192: {  	[tilespmem:s0+$0x40] =	vst v33  }
0x193: {  	v33 =	vld.idx.msk [tilespmem:v37+s9+$0x0], $0xffff  }
0x194: {  	v38 =	vor.u32 v6, v32;
	_ =	sdelay $0x3  }
0x195: {  	[tilespmem:s0+$0x50] =	vst v33  }
0x196: {  	v33 =	vld.idx.msk [tilespmem:v38+s9+$0x0], $0xffff  }
0x197: {  	v39 =	vor.u32 v7, v32;
	_ =	sdelay $0x3  }
0x198: {  	[tilespmem:s0+$0x60] =	vst v33  }
0x199: {  	v33 =	vld.idx.msk [tilespmem:v39+s9+$0x0], $0xffff  }
0x19a: {  	v40 =	vor.u32 v8, v32;
	_ =	sdelay $0x3  }
0x19b: {  	[tilespmem:s0+$0x70] =	vst v33  }
0x19c: {  	v33 =	vld.idx.msk [tilespmem:v40+s9+$0x0], $0xffff  }
0x19d: {  	v41 =	vor.u32 v9, v32;
	_ =	sdelay $0x3  }
0x19e: {  	[tilespmem:s0+$0x400] =	vst v33  }
0x19f: {  	v33 =	vld.idx.msk [tilespmem:v41+s9+$0x0], $0xffff  }
0x1a0: {  	v42 =	vor.u32 v10, v32;
	_ =	sdelay $0x3  }
0x1a1: {  	[tilespmem:s0+$0x410] =	vst v33  }
0x1a2: {  	v33 =	vld.idx.msk [tilespmem:v42+s9+$0x0], $0xffff  }
0x1a3: {  	v43 =	vor.u32 v11, v32;
	_ =	sdelay $0x3  }
0x1a4: {  	[tilespmem:s0+$0x420] =	vst v33  }
0x1a5: {  	v33 =	vld.idx.msk [tilespmem:v43+s9+$0x0], $0xffff  }
0x1a6: {  	v44 =	vor.u32 v12, v32;
	_ =	sdelay $0x3  }
0x1a7: {  	[tilespmem:s0+$0x430] =	vst v33  }
0x1a8: {  	v33 =	vld.idx.msk [tilespmem:v44+s9+$0x0], $0xffff  }
0x1a9: {  	v45 =	vor.u32 v13, v32;
	_ =	sdelay $0x3  }
0x1aa: {  	[tilespmem:s0+$0x440] =	vst v33  }
0x1ab: {  	v33 =	vld.idx.msk [tilespmem:v45+s9+$0x0], $0xffff  }
0x1ac: {  	v46 =	vor.u32 v14, v32;
	_ =	sdelay $0x3  }
0x1ad: {  	[tilespmem:s0+$0x450] =	vst v33  }
0x1ae: {  	v33 =	vld.idx.msk [tilespmem:v46+s9+$0x0], $0xffff  }
0x1af: {  	v32 =	vor.u32 v15, v32;
	_ =	sdelay $0x3  }
0x1b0: {  	s15 =	simm.s32 $0x0;
	[tilespmem:s0+$0x460] =	vst v33  }
0x1b1: {  	v47 =	vmov s15;
	v32 =	vld.idx.msk [tilespmem:v32+s9+$0x0], $0xffff  }
0x1b2: {  	v33 =	vand.u32 $0x7F, v47  }
0x1b3: {  	v33 =	vbroadcast v33, $0x0;
	_ =	sdelay $0x1  }
0x1b4: {  	v48 =	vor.u32 v16, v33  }
0x1b5: {  	[tilespmem:s0+$0x470] =	vst v32  }
0x1b6: {  	_ =	swait.ge [sflag:s10], $0x8000  }
0x1b7: {  	[sflag:s10] =	ssyncset.done $0x0  }
0x1b8: {  	[sflag:s10] =	ssyncadd.s32 $0xFFFF8000  }
0x1b9: {  	v49 =	vld.idx.msk [tilespmem:v48+s9+$0x0], $0xffff  }
0x1ba: {  	v50 =	vor.u32 v17, v33  }
0x1bb: {  	s29 =	sand.u32 $0x7000, s15;
	s30 =	sand.u32 $0x380, s15  }
0x1bc: {  	s0 =	sor.u32 s30, s29  }
0x1bd: {  	s16 =	sadd.s32 $0x10280, s0  }
0x1be: {  	[tilespmem:s16+$0x800] =	vst v49  }
0x1bf: {  	v32 =	vld.idx.msk [tilespmem:v50+s9+$0x0], $0xffff  }
0x1c0: {  	v51 =	vor.u32 v18, v33;
	_ =	sdelay $0x3  }
0x1c1: {  	[tilespmem:s16+$0x810] =	vst v32  }
0x1c2: {  	v32 =	vld.idx.msk [tilespmem:v51+s9+$0x0], $0xffff  }
0x1c3: {  	v52 =	vor.u32 v19, v33;
	_ =	sdelay $0x3  }
0x1c4: {  	[tilespmem:s16+$0x820] =	vst v32  }
0x1c5: {  	v32 =	vld.idx.msk [tilespmem:v52+s9+$0x0], $0xffff  }
0x1c6: {  	v53 =	vor.u32 v20, v33;
	_ =	sdelay $0x3  }
0x1c7: {  	[tilespmem:s16+$0x830] =	vst v32  }
0x1c8: {  	v32 =	vld.idx.msk [tilespmem:v53+s9+$0x0], $0xffff  }
0x1c9: {  	v54 =	vor.u32 v21, v33;
	_ =	sdelay $0x3  }
0x1ca: {  	[tilespmem:s16+$0x840] =	vst v32  }
0x1cb: {  	v32 =	vld.idx.msk [tilespmem:v54+s9+$0x0], $0xffff  }
0x1cc: {  	v55 =	vor.u32 v22, v33;
	_ =	sdelay $0x3  }
0x1cd: {  	[tilespmem:s16+$0x850] =	vst v32  }
0x1ce: {  	v32 =	vld.idx.msk [tilespmem:v55+s9+$0x0], $0xffff  }
0x1cf: {  	v56 =	vor.u32 v23, v33;
	_ =	sdelay $0x3  }
0x1d0: {  	[tilespmem:s16+$0x860] =	vst v32  }
0x1d1: {  	v32 =	vld.idx.msk [tilespmem:v56+s9+$0x0], $0xffff  }
0x1d2: {  	v57 =	vor.u32 v24, v33;
	_ =	sdelay $0x3  }
0x1d3: {  	[tilespmem:s16+$0x870] =	vst v32  }
0x1d4: {  	v32 =	vld.idx.msk [tilespmem:v57+s9+$0x0], $0xffff  }
0x1d5: {  	v58 =	vor.u32 v25, v33;
	_ =	sdelay $0x3  }
0x1d6: {  	[tilespmem:s16+$0xC00] =	vst v32  }
0x1d7: {  	v32 =	vld.idx.msk [tilespmem:v58+s9+$0x0], $0xffff  }
0x1d8: {  	v59 =	vor.u32 v26, v33;
	_ =	sdelay $0x3  }
0x1d9: {  	[tilespmem:s16+$0xC10] =	vst v32  }
0x1da: {  	v32 =	vld.idx.msk [tilespmem:v59+s9+$0x0], $0xffff  }
0x1db: {  	v60 =	vor.u32 v27, v33;
	_ =	sdelay $0x3  }
0x1dc: {  	[tilespmem:s16+$0xC20] =	vst v32  }
0x1dd: {  	v32 =	vld.idx.msk [tilespmem:v60+s9+$0x0], $0xffff  }
0x1de: {  	v61 =	vor.u32 v28, v33;
	_ =	sdelay $0x3  }
0x1df: {  	[tilespmem:s16+$0xC30] =	vst v32  }
0x1e0: {  	v32 =	vld.idx.msk [tilespmem:v61+s9+$0x0], $0xffff  }
0x1e1: {  	v62 =	vor.u32 v29, v33;
	_ =	sdelay $0x3  }
0x1e2: {  	[tilespmem:s16+$0xC40] =	vst v32  }
0x1e3: {  	v32 =	vld.idx.msk [tilespmem:v62+s9+$0x0], $0xffff  }
0x1e4: {  	v63 =	vor.u32 v30, v33;
	_ =	sdelay $0x3  }
0x1e5: {  	[tilespmem:s16+$0xC50] =	vst v32  }
0x1e6: {  	v34 =	vld.idx.msk [tilespmem:v63+s9+$0x0], $0xffff  }
0x1e7: {  	v33 =	vor.u32 v31, v33;
	_ =	sdelay $0x1  }
0x1e8: {  	s31 =	simm.s32 $0x1  }
0x1e9: {  	s18 =	simm.s32 $0x2;
	s17 =	simm.s32 $0x0;
	v32 =	vmov s31  }
.LBB2_8:
0x1ea: {  	p0 =	sne.s32 s18, $0x3F;
	v32 =	vand.u32 $0x7F, v32;
	[tilespmem:s16+$0xC60] =	vst v34  }
0x1eb: {  	v32 =	vbroadcast v32, $0x0;
	v33 =	vld.idx.msk [tilespmem:v33+s9+$0x0], $0xffff;
	_ =	sdelay $0x1  }
0x1ec: {  	v34 =	vor.u32 v16, v32;
	_ =	sdelay $0x3  }
0x1ed: {  	[tilespmem:s16+$0xC70] =	vst v33  }
0x1ee: {  	v33 =	vld.idx.msk [tilespmem:v34+s9+$0x0], $0xffff;
	_ =	sdelay $0x1  }
0x1ef: {  	s15 =	sadd.s32 $0x80, s15;
	s17 =	sadd.s32 $0x200, s17;
	v34 =	vor.u32 v17, v32  }
0x1f0: {  	s0 =	sand.u32 $0x7000, s17;
	s1 =	sand.u32 $0x380, s15  }
0x1f1: {  	s0 =	sor.u32 s1, s0  }
0x1f2: {  	s16 =	sadd.s32 $0x10280, s0  }
0x1f3: {  	[tilespmem:s16+$0x800] =	vst v33  }
0x1f4: {  	v33 =	vld.idx.msk [tilespmem:v34+s9+$0x0], $0xffff;
	_ =	sdelay $0x1  }
0x1f5: {  	v34 =	vor.u32 v18, v32;
	_ =	sdelay $0x3  }
0x1f6: {  	[tilespmem:s16+$0x810] =	vst v33  }
0x1f7: {  	v33 =	vld.idx.msk [tilespmem:v34+s9+$0x0], $0xffff;
	_ =	sdelay $0x1  }
0x1f8: {  	v34 =	vor.u32 v19, v32;
	_ =	sdelay $0x3  }
0x1f9: {  	[tilespmem:s16+$0x820] =	vst v33  }
0x1fa: {  	v33 =	vld.idx.msk [tilespmem:v34+s9+$0x0], $0xffff;
	_ =	sdelay $0x1  }
0x1fb: {  	v34 =	vor.u32 v20, v32;
	_ =	sdelay $0x3  }
0x1fc: {  	[tilespmem:s16+$0x830] =	vst v33  }
0x1fd: {  	v33 =	vld.idx.msk [tilespmem:v34+s9+$0x0], $0xffff;
	_ =	sdelay $0x1  }
0x1fe: {  	v34 =	vor.u32 v21, v32;
	_ =	sdelay $0x3  }
0x1ff: {  	[tilespmem:s16+$0x840] =	vst v33  }
0x200: {  	v33 =	vld.idx.msk [tilespmem:v34+s9+$0x0], $0xffff;
	_ =	sdelay $0x1  }
0x201: {  	v34 =	vor.u32 v22, v32;
	_ =	sdelay $0x3  }
0x202: {  	[tilespmem:s16+$0x850] =	vst v33  }
0x203: {  	v33 =	vld.idx.msk [tilespmem:v34+s9+$0x0], $0xffff;
	_ =	sdelay $0x1  }
0x204: {  	v34 =	vor.u32 v23, v32;
	_ =	sdelay $0x3  }
0x205: {  	[tilespmem:s16+$0x860] =	vst v33  }
0x206: {  	v33 =	vld.idx.msk [tilespmem:v34+s9+$0x0], $0xffff;
	_ =	sdelay $0x1  }
0x207: {  	v34 =	vor.u32 v24, v32;
	_ =	sdelay $0x3  }
0x208: {  	[tilespmem:s16+$0x870] =	vst v33  }
0x209: {  	v33 =	vld.idx.msk [tilespmem:v34+s9+$0x0], $0xffff;
	_ =	sdelay $0x1  }
0x20a: {  	v34 =	vor.u32 v25, v32;
	_ =	sdelay $0x3  }
0x20b: {  	[tilespmem:s16+$0xC00] =	vst v33  }
0x20c: {  	v33 =	vld.idx.msk [tilespmem:v34+s9+$0x0], $0xffff;
	_ =	sdelay $0x1  }
0x20d: {  	v34 =	vor.u32 v26, v32;
	_ =	sdelay $0x3  }
0x20e: {  	[tilespmem:s16+$0xC10] =	vst v33  }
0x20f: {  	v33 =	vld.idx.msk [tilespmem:v34+s9+$0x0], $0xffff;
	_ =	sdelay $0x1  }
0x210: {  	v34 =	vor.u32 v27, v32;
	_ =	sdelay $0x3  }
0x211: {  	[tilespmem:s16+$0xC20] =	vst v33  }
0x212: {  	v33 =	vld.idx.msk [tilespmem:v34+s9+$0x0], $0xffff;
	_ =	sdelay $0x1  }
0x213: {  	v34 =	vor.u32 v28, v32;
	_ =	sdelay $0x3  }
0x214: {  	[tilespmem:s16+$0xC30] =	vst v33  }
0x215: {  	v33 =	vld.idx.msk [tilespmem:v34+s9+$0x0], $0xffff;
	_ =	sdelay $0x1  }
0x216: {  	v34 =	vor.u32 v29, v32;
	_ =	sdelay $0x3  }
0x217: {  	[tilespmem:s16+$0xC40] =	vst v33  }
0x218: {  	v33 =	vld.idx.msk [tilespmem:v34+s9+$0x0], $0xffff;
	_ =	sdelay $0x1  }
0x219: {  	v34 =	vor.u32 v30, v32;
	_ =	sdelay $0x3  }
0x21a: {  	[tilespmem:s16+$0xC50] =	vst v33  }
0x21b: {  	v34 =	vld.idx.msk [tilespmem:v34+s9+$0x0], $0xffff  }
.Ltmp3:
0x21c: {  	(pc) =	sbr.rel @p0 .LBB2_8-.Ltmp3, $2  }
0x21d: {  	v33 =	vor.u32 v31, v32;
	_ =	sdelay $0x2  }
0x21e: {  	v32 =	vmov s18;
	s18 =	sadd.s32 $0x1, s18  }
0x21f: {  	_ =	sdelay $0x1  }
0x220: {  	v32 =	vand.u32 $0x7F, v32  }
0x221: {  	[tilespmem:s16+$0xC60] =	vst v34;
	v32 =	vbroadcast v32, $0x0  }
0x222: {  	v33 =	vld.idx.msk [tilespmem:v33+s9+$0x0], $0xffff  }
0x223: {  	v49 =	vor.u32 v16, v32;
	_ =	sdelay $0x3  }
0x224: {  	[tilespmem:s16+$0xC70] =	vst v33  }
0x225: {  	v33 =	vld.idx.msk [tilespmem:v49+s9+$0x0], $0xffff  }
0x226: {  	s0 =	sadd.s32 $0x80, s15;
	s1 =	sadd.s32 $0x200, s17;
	v50 =	vor.u32 v17, v32  }
0x227: {  	s1 =	sand.u32 $0x7000, s1;
	s0 =	sand.u32 $0x380, s0  }
0x228: {  	s0 =	sor.u32 s0, s1  }
0x229: {  	s0 =	sadd.s32 $0x10280, s0  }
0x22a: {  	[tilespmem:s0+$0x800] =	vst v33  }
0x22b: {  	v33 =	vld.idx.msk [tilespmem:v50+s9+$0x0], $0xffff  }
0x22c: {  	v51 =	vor.u32 v18, v32;
	_ =	sdelay $0x3  }
0x22d: {  	[tilespmem:s0+$0x810] =	vst v33  }
0x22e: {  	v33 =	vld.idx.msk [tilespmem:v51+s9+$0x0], $0xffff  }
0x22f: {  	v52 =	vor.u32 v19, v32;
	_ =	sdelay $0x3  }
0x230: {  	[tilespmem:s0+$0x820] =	vst v33  }
0x231: {  	v33 =	vld.idx.msk [tilespmem:v52+s9+$0x0], $0xffff  }
0x232: {  	v53 =	vor.u32 v20, v32;
	_ =	sdelay $0x3  }
0x233: {  	[tilespmem:s0+$0x830] =	vst v33  }
0x234: {  	v33 =	vld.idx.msk [tilespmem:v53+s9+$0x0], $0xffff  }
0x235: {  	v54 =	vor.u32 v21, v32;
	_ =	sdelay $0x3  }
0x236: {  	[tilespmem:s0+$0x840] =	vst v33  }
0x237: {  	v33 =	vld.idx.msk [tilespmem:v54+s9+$0x0], $0xffff  }
0x238: {  	v55 =	vor.u32 v22, v32;
	_ =	sdelay $0x3  }
0x239: {  	[tilespmem:s0+$0x850] =	vst v33  }
0x23a: {  	v33 =	vld.idx.msk [tilespmem:v55+s9+$0x0], $0xffff  }
0x23b: {  	v56 =	vor.u32 v23, v32;
	_ =	sdelay $0x3  }
0x23c: {  	[tilespmem:s0+$0x860] =	vst v33  }
0x23d: {  	v33 =	vld.idx.msk [tilespmem:v56+s9+$0x0], $0xffff  }
0x23e: {  	v57 =	vor.u32 v24, v32;
	_ =	sdelay $0x3  }
0x23f: {  	[tilespmem:s0+$0x870] =	vst v33  }
0x240: {  	v33 =	vld.idx.msk [tilespmem:v57+s9+$0x0], $0xffff  }
0x241: {  	v58 =	vor.u32 v25, v32;
	_ =	sdelay $0x3  }
0x242: {  	[tilespmem:s0+$0xC00] =	vst v33  }
0x243: {  	v33 =	vld.idx.msk [tilespmem:v58+s9+$0x0], $0xffff  }
0x244: {  	v59 =	vor.u32 v26, v32;
	_ =	sdelay $0x3  }
0x245: {  	[tilespmem:s0+$0xC10] =	vst v33  }
0x246: {  	v33 =	vld.idx.msk [tilespmem:v59+s9+$0x0], $0xffff  }
0x247: {  	v60 =	vor.u32 v27, v32;
	_ =	sdelay $0x3  }
0x248: {  	[tilespmem:s0+$0xC20] =	vst v33  }
0x249: {  	v33 =	vld.idx.msk [tilespmem:v60+s9+$0x0], $0xffff  }
0x24a: {  	v61 =	vor.u32 v28, v32;
	_ =	sdelay $0x3  }
0x24b: {  	[tilespmem:s0+$0xC30] =	vst v33  }
0x24c: {  	v33 =	vld.idx.msk [tilespmem:v61+s9+$0x0], $0xffff  }
0x24d: {  	v62 =	vor.u32 v29, v32;
	_ =	sdelay $0x3  }
0x24e: {  	[tilespmem:s0+$0xC40] =	vst v33  }
0x24f: {  	v33 =	vld.idx.msk [tilespmem:v62+s9+$0x0], $0xffff  }
0x250: {  	v63 =	vor.u32 v30, v32;
	_ =	sdelay $0x3  }
0x251: {  	[tilespmem:s0+$0xC50] =	vst v33  }
0x252: {  	v33 =	vld.idx.msk [tilespmem:v63+s9+$0x0], $0xffff  }
0x253: {  	v32 =	vor.u32 v31, v32;
	_ =	sdelay $0x3  }
0x254: {  	[tilespmem:s0+$0xC60] =	vst v33  }
0x255: {  	v32 =	vld.idx.msk [tilespmem:v32+s9+$0x0], $0xffff;
	_ =	sdelay $0x3  }
0x256: {  	s29 =	rddreg [dreg:$0x5]  }
0x257: {  	s30 =	simm.s32 $0x1000;
	s4 =	simm.s32 $0x20000;
	s5 =	simm.s32 $0x10280;
	[tilespmem:s0+$0xC70] =	vst v32  }
0x258: {  	[hbm4b:s29+s30] =	stream.strided.scatter [tilespmem:s5], [sflag:$0x3], $0x8000, s4, s30, $0x38;
	[tilespmem:$0x18280] =	vst v63  }
0x259: {  	_ =	swait.ge [sflag:s7], $0x8000  }
0x25a: {  	s14 =	sadd.s32 $0x1, s14;
	s31 =	rddreg [dreg:$0x6]  }
0x25b: {  	p0 =	sne.s32 s14, s31  }
.Ltmp4:
0x25c: {  	_ = 	snop;
	(pc) =	sbr.rel @p0 .LBB2_1-.Ltmp4, $3  }
0x25d: {  	_ =	sdelay $0x1  }
0x25e: {  	[sflag:s7] =	ssyncset.done $0x0  }
0x25f: {  	[sflag:s7] =	ssyncadd.s32 $0xFFFF8000  }
0x260: {  	_ =	sfence.sel $0x180000  }
0x261: {  	[bflag:$0x0] =	sbarrier.arrive $0xFFFF  }
0x262: {  	_ =	strace $0x90000047  }
0x263: {  	s0 =	stileid.u32;
	[bflag:$0x2] =	sbarrier.arrive $0xFFFF  }
0x264: {  	p0 =	sne.s32 s0, $0x0;
	s0 =	rddreg [dreg:$0x3]  }
0x265: {  	s0 =	sadd.s32 @!p0 $0x100000, s0  }
0x266: {  	[sflag:s0] =	ssyncadd.tile.s32 @!p0 $0x1;
	_ =	shalt  }
.Lfunc_end2:
_tile_overlayer_lowered:
.L_overlay_start_2:
0x267: {  	(tag) =	ssettag $0x2  }
0x268: {  	s0 =	rddreg [dreg:$0x0];
	s2 =	stileid.u32  }
0x269: {  	s1 =	rddreg [dreg:$0x1];
	p0 =	sne.s32 s2, $0x0  }
0x26a: {  	s3 =	rddreg [dreg:$0x2];
	[bflag:$0x3] =	sbarrier.arrive $0xFFFF;
	s2 =	simm.s32 @!p0 $0x1C03  }
0x26b: {  	[timem:s3], [sflag:s2] =	dma.local @!p0 [hbm:s0], s1  }
0x26c: {  	s0 =	simm.s32 @!p0 $0x3  }
0x26d: {  	_ =	swait.ge @!p0 [sflag:s0], s1  }
0x26e: {  	s1 =	ssub.s32 @!p0 $0x0, s1;
	[sflag:s0] =	ssyncset.done @!p0 $0x0  }
0x26f: {  	[sflag:s0] =	ssyncadd.s32 @!p0 s1  }
0x270: {  	[bflag:$0x3] =	sbarrier.arrive $0xFFFF  }
0x271: {  	_ =	shalt  }

</sc_bundles>
